<compile_context>
chip_gen: v7x
topology: tpu7x:2x2x1
jax: 0.10.2.dev20260603
libtpu: 0.0.44.dev20260713+nightly
codegen_flags: <defaults>
</compile_context>

<pallas_src>
import functools

import jax
import jax.numpy as jnp
from jax import lax
from jax.experimental import pallas as pl
from jax.experimental.pallas import tpu as pltpu
from jax.experimental.pallas import tpu_sc as plsc

Nc = 4096
Nt = 4096
NNZ = 167772
D = 1024

NG = 8
DG = D // NG
N_TILES = 16
G = 128
CHUNKS = -(-NNZ // (N_TILES * G))
NNZ_PAD = N_TILES * CHUNKS * G
ACC_ROWS = Nc + 8
RPT = Nc // N_TILES
N_PASS = 4


def _sc_body(mat_ref, ridx_ref, colg_ref, zeros_ref, out_ref,
             ridx_v, cidx_v, vals_v, acc, gsem, ssem):
    c = lax.axis_index("c")
    s = lax.axis_index("s")

    pltpu.sync_copy(ridx_ref.at[s], ridx_v)

    for p in range(N_PASS):
        g = c * N_PASS + p
        pltpu.sync_copy(colg_ref.at[g, s], cidx_v)
        pltpu.sync_copy(zeros_ref, acc.at[pl.ds(s * RPT, RPT)])
        plsc.subcore_barrier()

        def step(j, carry):
            pltpu.async_copy(mat_ref.at[cidx_v.at[j]], vals_v, gsem).wait()
            pltpu.async_copy(vals_v, acc.at[ridx_v.at[j]], ssem,
                             add=True).wait()
            return carry

        lax.fori_loop(0, CHUNKS, step, 0)
        plsc.subcore_barrier()
        pltpu.sync_copy(acc.at[pl.ds(s * RPT, RPT)],
                        out_ref.at[pl.ds(s * RPT, RPT), g])


_sc_call = functools.partial(
    pl.kernel,
    out_type=jax.ShapeDtypeStruct((Nc, NG, DG), jnp.float32),
    mesh=plsc.VectorSubcoreMesh(core_axis_name="c", subcore_axis_name="s"),
    scratch_types=[
        pltpu.VMEM((CHUNKS, G), jnp.int32),
        pltpu.VMEM((CHUNKS, G), jnp.int32),
        pltpu.VMEM((G, DG), jnp.float32),
        pltpu.VMEM_SHARED((ACC_ROWS, DG), jnp.float32),
        pltpu.SemaphoreType.DMA,
        pltpu.SemaphoreType.DMA,
    ],
)(_sc_body)


def kernel(mat, row, col):
    pad = NNZ_PAD - NNZ
    row_p = jnp.concatenate([row, jnp.full((pad,), Nc, jnp.int32)])
    col_p = jnp.concatenate([col, jnp.zeros((pad,), jnp.int32)])
    ridx = row_p.reshape(N_TILES, CHUNKS, G)
    gs = jnp.arange(NG, dtype=jnp.int32)[:, None]
    colg = (col_p[None, :] * NG + gs).reshape(NG, N_TILES, CHUNKS, G)
    mat_r = mat.reshape(Nt * NG, DG)
    zeros = jnp.zeros((RPT, DG), jnp.float32)
    out3 = _sc_call(mat_r, ridx, colg, zeros)
    return out3.reshape(Nc, D)

# --- scband reference (transcript-rebuilt; emitter-appended) ---
"""Pipeline reference for scband-my-model-87522843560991 (READ-ONLY COPY).

The authoritative reference and input builder live on the scoring server;
editing this copy changes nothing except your own understanding.
"""

import jax, jax.numpy as jnp
import numpy as np

Nc = 4096
Nt = 4096
NNZ = 167772
D = 1024


def setup_inputs(seed: int = 0) -> dict:
    key = jax.random.key(seed)
    k1, k2, k3 = jax.random.split(key, 3)
    mat = jax.random.normal(k1, (Nt, D), dtype=jnp.float32)
    row = jax.random.randint(k2, (NNZ,), 0, Nc, dtype=jnp.int32)
    col = jax.random.randint(k3, (NNZ,), 0, Nt, dtype=jnp.int32)
    return {"mat": mat, "row": row, "col": col}


def reference(mat, row, col):
    # Faithful translation of MyModel.matmul: sparse binary matrix (Nc x Nt)
    # times dense mat (Nt x D). The TF version loops over index batches and
    # accumulates with tensor_scatter_nd_add; mathematically this is a single
    # gather along col followed by a scatter-add along row.
    vals = jnp.take(mat, col, axis=0)                      # gather: [NNZ, D]
    out = jnp.zeros((Nc, mat.shape[1]), dtype=mat.dtype)
    out = out.at[row].add(vals)                            # scatter-add: [Nc, D]
    return out

if __name__ == "__main__":
    import jax
    _d = setup_inputs()
    print(jax.jit(kernel)(*tuple(_d.values())))

</pallas_src>

<mosaic_0001>
#map = affine_map<(d0, d1) -> (0, 0)>
#map1 = affine_map<(d0, d1) -> (0, 0, 0)>
#map2 = affine_map<(d0, d1) -> (0, 0, 0, 0)>
module attributes {stable_mosaic.version = 14 : i64} {
  func.func @_sc_body(%arg0: i32, %arg1: i32, %arg2: memref<32768x128xf32, #tpu.memory_space<hbm>>, %arg3: memref<16x82x128xi32, #tpu.memory_space<hbm>>, %arg4: memref<8x16x82x128xi32, #tpu.memory_space<hbm>>, %arg5: memref<256x128xf32, #tpu.memory_space<hbm>>, %arg6: memref<4096x8x128xf32, #tpu.memory_space<hbm>>, %arg7: memref<82x128xi32, #tpu.memory_space<vmem>>, %arg8: memref<82x128xi32, #tpu.memory_space<vmem>>, %arg9: memref<128x128xf32, #tpu.memory_space<vmem>>, %arg10: memref<4104x128xf32, #tpu.memory_space<vmem_shared>>, %arg11: memref<!tpu.dma_semaphore, #tpu.memory_space<semaphore_mem>>, %arg12: memref<!tpu.dma_semaphore, #tpu.memory_space<semaphore_mem>>) attributes {dimension_semantics = [#tpu.dimension_semantics<core_parallel>, #tpu.dimension_semantics<subcore_parallel>], iteration_bounds = array<i64: 2, 16>, scalar_prefetch = 0 : i64, scratch_operands = 6 : i64, tpu.core_type = #tpu.core_type<sc_vector_subcore>, window_params = [{transform_indices = #map}, {transform_indices = #map1}, {transform_indices = #map2}, {transform_indices = #map}, {transform_indices = #map1}]} {
    "tpu.region"() ({
      %run_scoped3A = tpu.sem_alloc : memref<!tpu.dma_semaphore, #tpu.memory_space<semaphore_mem>>
      %dma_start3A = arith.constant 0 : i32
      %dma_start3A_68 = arith.constant 0 : i32
      %dma_start3A_69 = tpu.memref_slice %arg3[%arg1, %dma_start3A, %dma_start3A_68] : memref<16x82x128xi32, #tpu.memory_space<hbm>> -> memref<1x82x128xi32, #tpu.memory_space<hbm>>
      %dma_start3A_70 = tpu.memref_squeeze %dma_start3A_69 : memref<1x82x128xi32, #tpu.memory_space<hbm>> -> memref<82x128xi32, #tpu.memory_space<hbm>>
      %dma_start3A_71 = arith.constant 0 : i32
      %dma_start3A_72 = arith.constant 0 : i32
      %dma_start3A_73 = tpu.memref_slice %arg3[%arg1, %dma_start3A_71, %dma_start3A_72] : memref<16x82x128xi32, #tpu.memory_space<hbm>> -> memref<1x82x128xi32, #tpu.memory_space<hbm>>
      %dma_start3A_74 = tpu.memref_squeeze %dma_start3A_73 : memref<1x82x128xi32, #tpu.memory_space<hbm>> -> memref<82x128xi32, #tpu.memory_space<hbm>>
      tpu.enqueue_dma source(%dma_start3A_74 : memref<82x128xi32, #tpu.memory_space<hbm>>) target(%arg7 : memref<82x128xi32, #tpu.memory_space<vmem>>) target_semaphore(%run_scoped3A : memref<!tpu.dma_semaphore, #tpu.memory_space<semaphore_mem>>)
      %dma_wait3A = arith.constant 0 : i32
      %dma_wait3A_75 = arith.constant 0 : i32
      %dma_wait3A_76 = tpu.memref_slice %arg3[%arg1, %dma_wait3A, %dma_wait3A_75] : memref<16x82x128xi32, #tpu.memory_space<hbm>> -> memref<1x82x128xi32, #tpu.memory_space<hbm>>
      %dma_wait3A_77 = tpu.memref_squeeze %dma_wait3A_76 : memref<1x82x128xi32, #tpu.memory_space<hbm>> -> memref<82x128xi32, #tpu.memory_space<hbm>>
      %dma_wait3A_78 = arith.constant 0 : i32
      %dma_wait3A_79 = arith.constant 0 : i32
      %dma_wait3A_80 = tpu.memref_slice %arg3[%arg1, %dma_wait3A_78, %dma_wait3A_79] : memref<16x82x128xi32, #tpu.memory_space<hbm>> -> memref<1x82x128xi32, #tpu.memory_space<hbm>>
      %dma_wait3A_81 = tpu.memref_squeeze %dma_wait3A_80 : memref<1x82x128xi32, #tpu.memory_space<hbm>> -> memref<82x128xi32, #tpu.memory_space<hbm>>
      tpu.wait_dma2 semaphore(%run_scoped3A : memref<!tpu.dma_semaphore, #tpu.memory_space<semaphore_mem>>) src(%dma_wait3A_81 : memref<82x128xi32, #tpu.memory_space<hbm>>) dst(%arg7 : memref<82x128xi32, #tpu.memory_space<vmem>>)
      tpu.yield
    }) : () -> ()
    %mul3A = arith.constant 4 : i32
    %mul3A_0 = arith.muli %arg0, %mul3A : i32
    %add3A = arith.constant 0 : i32
    %add3A_1 = arith.addi %mul3A_0, %add3A : i32
    "tpu.region"() ({
      %run_scoped3A = tpu.sem_alloc : memref<!tpu.dma_semaphore, #tpu.memory_space<semaphore_mem>>
      %dma_start3A = arith.constant 0 : i32
      %dma_start3A_68 = arith.constant 0 : i32
      %dma_start3A_69 = tpu.memref_slice %arg4[%add3A_1, %arg1, %dma_start3A, %dma_start3A_68] : memref<8x16x82x128xi32, #tpu.memory_space<hbm>> -> memref<1x1x82x128xi32, #tpu.memory_space<hbm>>
      %dma_start3A_70 = tpu.memref_squeeze %dma_start3A_69 : memref<1x1x82x128xi32, #tpu.memory_space<hbm>> -> memref<82x128xi32, #tpu.memory_space<hbm>>
      %dma_start3A_71 = arith.constant 0 : i32
      %dma_start3A_72 = arith.constant 0 : i32
      %dma_start3A_73 = tpu.memref_slice %arg4[%add3A_1, %arg1, %dma_start3A_71, %dma_start3A_72] : memref<8x16x82x128xi32, #tpu.memory_space<hbm>> -> memref<1x1x82x128xi32, #tpu.memory_space<hbm>>
      %dma_start3A_74 = tpu.memref_squeeze %dma_start3A_73 : memref<1x1x82x128xi32, #tpu.memory_space<hbm>> -> memref<82x128xi32, #tpu.memory_space<hbm>>
      tpu.enqueue_dma source(%dma_start3A_74 : memref<82x128xi32, #tpu.memory_space<hbm>>) target(%arg8 : memref<82x128xi32, #tpu.memory_space<vmem>>) target_semaphore(%run_scoped3A : memref<!tpu.dma_semaphore, #tpu.memory_space<semaphore_mem>>)
      %dma_wait3A = arith.constant 0 : i32
      %dma_wait3A_75 = arith.constant 0 : i32
      %dma_wait3A_76 = tpu.memref_slice %arg4[%add3A_1, %arg1, %dma_wait3A, %dma_wait3A_75] : memref<8x16x82x128xi32, #tpu.memory_space<hbm>> -> memref<1x1x82x128xi32, #tpu.memory_space<hbm>>
      %dma_wait3A_77 = tpu.memref_squeeze %dma_wait3A_76 : memref<1x1x82x128xi32, #tpu.memory_space<hbm>> -> memref<82x128xi32, #tpu.memory_space<hbm>>
      %dma_wait3A_78 = arith.constant 0 : i32
      %dma_wait3A_79 = arith.constant 0 : i32
      %dma_wait3A_80 = tpu.memref_slice %arg4[%add3A_1, %arg1, %dma_wait3A_78, %dma_wait3A_79] : memref<8x16x82x128xi32, #tpu.memory_space<hbm>> -> memref<1x1x82x128xi32, #tpu.memory_space<hbm>>
      %dma_wait3A_81 = tpu.memref_squeeze %dma_wait3A_80 : memref<1x1x82x128xi32, #tpu.memory_space<hbm>> -> memref<82x128xi32, #tpu.memory_space<hbm>>
      tpu.wait_dma2 semaphore(%run_scoped3A : memref<!tpu.dma_semaphore, #tpu.memory_space<semaphore_mem>>) src(%dma_wait3A_81 : memref<82x128xi32, #tpu.memory_space<hbm>>) dst(%arg8 : memref<82x128xi32, #tpu.memory_space<vmem>>)
      tpu.yield
    }) : () -> ()
    %mul3A_2 = arith.constant 256 : i32
    %mul3A_3 = arith.muli %arg1, %mul3A_2 : i32
    "tpu.region"() ({
      %run_scoped3A = tpu.sem_alloc : memref<!tpu.dma_semaphore, #tpu.memory_space<semaphore_mem>>
      %dma_start3A = arith.constant 0 : i32
      %dma_start3A_68 = tpu.memref_slice %arg10[%mul3A_3, %dma_start3A] : memref<4104x128xf32, #tpu.memory_space<vmem_shared>> -> memref<256x128xf32, #tpu.memory_space<vmem_shared>>
      tpu.enqueue_dma source(%arg5 : memref<256x128xf32, #tpu.memory_space<hbm>>) target(%dma_start3A_68 : memref<256x128xf32, #tpu.memory_space<vmem_shared>>) target_semaphore(%run_scoped3A : memref<!tpu.dma_semaphore, #tpu.memory_space<semaphore_mem>>)
      %dma_wait3A = arith.constant 0 : i32
      %dma_wait3A_69 = tpu.memref_slice %arg10[%mul3A_3, %dma_wait3A] : memref<4104x128xf32, #tpu.memory_space<vmem_shared>> -> memref<256x128xf32, #tpu.memory_space<vmem_shared>>
      tpu.wait_dma2 semaphore(%run_scoped3A : memref<!tpu.dma_semaphore, #tpu.memory_space<semaphore_mem>>) src(%arg5 : memref<256x128xf32, #tpu.memory_space<hbm>>) dst(%dma_wait3A_69 : memref<256x128xf32, #tpu.memory_space<vmem_shared>>)
      tpu.yield
    }) : () -> ()
    %barrier3A = arith.constant 0 : index
    tpu.barrier barrier_id(%barrier3A)
    %scan3A = arith.constant 0 : i32
    %scan3A_4 = arith.constant 0 : i32
    %scan3A_5 = arith.constant 82 : i32
    %scan3A_6 = arith.addi %scan3A_4, %scan3A_5 : i32
    %scan3A_7 = arith.constant 1 : i32
    scf.for %scan3A_68 = %scan3A_4 to %scan3A_6 step %scan3A_7  : i32 {
      %dma_start3A = arith.constant 0 : i32
      %dma_start3A_69 = tpu.memref_slice %arg8[%scan3A_68, %dma_start3A] : memref<82x128xi32, #tpu.memory_space<vmem>> -> memref<1x128xi32, #tpu.memory_space<vmem>>
      %dma_start3A_70 = tpu.memref_squeeze %dma_start3A_69 : memref<1x128xi32, #tpu.memory_space<vmem>> -> memref<128xi32, #tpu.memory_space<vmem>>
      %dma_start3A_71 = arith.constant 0 : i32
      %dma_start3A_72 = arith.constant 0 : i32
      %dma_start3A_73 = tpu.memref_slice %arg2[%dma_start3A_71, %dma_start3A_72] : memref<32768x128xf32, #tpu.memory_space<hbm>> -> memref<32768x128xf32, #tpu.memory_space<hbm>>
      tpu.enqueue_indirect_dma source(%dma_start3A_73 : memref<32768x128xf32, #tpu.memory_space<hbm>>) target(%arg9 : memref<128x128xf32, #tpu.memory_space<vmem>>) offsets(%dma_start3A_70 : memref<128xi32, #tpu.memory_space<vmem>>) semaphore(%arg11 : memref<!tpu.dma_semaphore, #tpu.memory_space<semaphore_mem>>)
      %dma_wait3A = arith.constant 0 : i32
      %dma_wait3A_74 = tpu.memref_slice %arg8[%scan3A_68, %dma_wait3A] : memref<82x128xi32, #tpu.memory_space<vmem>> -> memref<1x128xi32, #tpu.memory_space<vmem>>
      %dma_wait3A_75 = tpu.memref_squeeze %dma_wait3A_74 : memref<1x128xi32, #tpu.memory_space<vmem>> -> memref<128xi32, #tpu.memory_space<vmem>>
      %dma_wait3A_76 = arith.constant 0 : i32
      %dma_wait3A_77 = arith.constant 0 : i32
      %dma_wait3A_78 = tpu.memref_slice %arg2[%dma_wait3A_76, %dma_wait3A_77] : memref<32768x128xf32, #tpu.memory_space<hbm>> -> memref<32768x128xf32, #tpu.memory_space<hbm>>
      tpu.wait_indirect_dma semaphore(%arg11 : memref<!tpu.dma_semaphore, #tpu.memory_space<semaphore_mem>>) src(%dma_wait3A_78 : memref<32768x128xf32, #tpu.memory_space<hbm>>) dst(%arg9 : memref<128x128xf32, #tpu.memory_space<vmem>>)
      %dma_start3A_79 = arith.constant 0 : i32
      %dma_start3A_80 = tpu.memref_slice %arg7[%scan3A_68, %dma_start3A_79] : memref<82x128xi32, #tpu.memory_space<vmem>> -> memref<1x128xi32, #tpu.memory_space<vmem>>
      %dma_start3A_81 = tpu.memref_squeeze %dma_start3A_80 : memref<1x128xi32, #tpu.memory_space<vmem>> -> memref<128xi32, #tpu.memory_space<vmem>>
      %dma_start3A_82 = arith.constant 0 : i32
      %dma_start3A_83 = arith.constant 0 : i32
      %dma_start3A_84 = tpu.memref_slice %arg10[%dma_start3A_82, %dma_start3A_83] : memref<4104x128xf32, #tpu.memory_space<vmem_shared>> -> memref<4104x128xf32, #tpu.memory_space<vmem_shared>>
      tpu.enqueue_indirect_dma source(%arg9 : memref<128x128xf32, #tpu.memory_space<vmem>>) target(%dma_start3A_84 : memref<4104x128xf32, #tpu.memory_space<vmem_shared>>) offsets(%dma_start3A_81 : memref<128xi32, #tpu.memory_space<vmem>>) semaphore(%arg12 : memref<!tpu.dma_semaphore, #tpu.memory_space<semaphore_mem>>) {add = true}
      %dma_wait3A_85 = arith.constant 0 : i32
      %dma_wait3A_86 = tpu.memref_slice %arg7[%scan3A_68, %dma_wait3A_85] : memref<82x128xi32, #tpu.memory_space<vmem>> -> memref<1x128xi32, #tpu.memory_space<vmem>>
      %dma_wait3A_87 = tpu.memref_squeeze %dma_wait3A_86 : memref<1x128xi32, #tpu.memory_space<vmem>> -> memref<128xi32, #tpu.memory_space<vmem>>
      %dma_wait3A_88 = arith.constant 0 : i32
      %dma_wait3A_89 = arith.constant 0 : i32
      %dma_wait3A_90 = tpu.memref_slice %arg10[%dma_wait3A_88, %dma_wait3A_89] : memref<4104x128xf32, #tpu.memory_space<vmem_shared>> -> memref<4104x128xf32, #tpu.memory_space<vmem_shared>>
      tpu.wait_indirect_dma semaphore(%arg12 : memref<!tpu.dma_semaphore, #tpu.memory_space<semaphore_mem>>) src(%arg9 : memref<128x128xf32, #tpu.memory_space<vmem>>) dst(%dma_wait3A_90 : memref<4104x128xf32, #tpu.memory_space<vmem_shared>>)
    }
    %scan3A_8 = arith.constant 82 : i32
    %barrier3A_9 = arith.constant 0 : index
    tpu.barrier barrier_id(%barrier3A_9)
    %mul3A_10 = arith.constant 256 : i32
    %mul3A_11 = arith.muli %arg1, %mul3A_10 : i32
    %mul3A_12 = arith.constant 256 : i32
    %mul3A_13 = arith.muli %arg1, %mul3A_12 : i32
    "tpu.region"() ({
      %run_scoped3A = tpu.sem_alloc : memref<!tpu.dma_semaphore, #tpu.memory_space<semaphore_mem>>
      %dma_start3A = arith.constant 0 : i32
      %dma_start3A_68 = tpu.memref_slice %arg6[%mul3A_13, %add3A_1, %dma_start3A] : memref<4096x8x128xf32, #tpu.memory_space<hbm>> -> memref<256x1x128xf32, #tpu.memory_space<hbm>>
      %dma_start3A_69 = tpu.memref_squeeze %dma_start3A_68 : memref<256x1x128xf32, #tpu.memory_space<hbm>> -> memref<256x128xf32, #tpu.memory_space<hbm>>
      %dma_start3A_70 = arith.constant 0 : i32
      %dma_start3A_71 = tpu.memref_slice %arg10[%mul3A_11, %dma_start3A_70] : memref<4104x128xf32, #tpu.memory_space<vmem_shared>> -> memref<256x128xf32, #tpu.memory_space<vmem_shared>>
      tpu.enqueue_dma source(%dma_start3A_71 : memref<256x128xf32, #tpu.memory_space<vmem_shared>>) target(%dma_start3A_69 : memref<256x128xf32, #tpu.memory_space<hbm>>) target_semaphore(%run_scoped3A : memref<!tpu.dma_semaphore, #tpu.memory_space<semaphore_mem>>)
      %dma_wait3A = arith.constant 0 : i32
      %dma_wait3A_72 = tpu.memref_slice %arg6[%mul3A_13, %add3A_1, %dma_wait3A] : memref<4096x8x128xf32, #tpu.memory_space<hbm>> -> memref<256x1x128xf32, #tpu.memory_space<hbm>>
      %dma_wait3A_73 = tpu.memref_squeeze %dma_wait3A_72 : memref<256x1x128xf32, #tpu.memory_space<hbm>> -> memref<256x128xf32, #tpu.memory_space<hbm>>
      %dma_wait3A_74 = arith.constant 0 : i32
      %dma_wait3A_75 = tpu.memref_slice %arg10[%mul3A_11, %dma_wait3A_74] : memref<4104x128xf32, #tpu.memory_space<vmem_shared>> -> memref<256x128xf32, #tpu.memory_space<vmem_shared>>
      tpu.wait_dma2 semaphore(%run_scoped3A : memref<!tpu.dma_semaphore, #tpu.memory_space<semaphore_mem>>) src(%dma_wait3A_75 : memref<256x128xf32, #tpu.memory_space<vmem_shared>>) dst(%dma_wait3A_73 : memref<256x128xf32, #tpu.memory_space<hbm>>)
      tpu.yield
    }) : () -> ()
    %mul3A_14 = arith.constant 4 : i32
    %mul3A_15 = arith.muli %arg0, %mul3A_14 : i32
    %add3A_16 = arith.constant 1 : i32
    %add3A_17 = arith.addi %mul3A_15, %add3A_16 : i32
    "tpu.region"() ({
      %run_scoped3A = tpu.sem_alloc : memref<!tpu.dma_semaphore, #tpu.memory_space<semaphore_mem>>
      %dma_start3A = arith.constant 0 : i32
      %dma_start3A_68 = arith.constant 0 : i32
      %dma_start3A_69 = tpu.memref_slice %arg4[%add3A_17, %arg1, %dma_start3A, %dma_start3A_68] : memref<8x16x82x128xi32, #tpu.memory_space<hbm>> -> memref<1x1x82x128xi32, #tpu.memory_space<hbm>>
      %dma_start3A_70 = tpu.memref_squeeze %dma_start3A_69 : memref<1x1x82x128xi32, #tpu.memory_space<hbm>> -> memref<82x128xi32, #tpu.memory_space<hbm>>
      %dma_start3A_71 = arith.constant 0 : i32
      %dma_start3A_72 = arith.constant 0 : i32
      %dma_start3A_73 = tpu.memref_slice %arg4[%add3A_17, %arg1, %dma_start3A_71, %dma_start3A_72] : memref<8x16x82x128xi32, #tpu.memory_space<hbm>> -> memref<1x1x82x128xi32, #tpu.memory_space<hbm>>
      %dma_start3A_74 = tpu.memref_squeeze %dma_start3A_73 : memref<1x1x82x128xi32, #tpu.memory_space<hbm>> -> memref<82x128xi32, #tpu.memory_space<hbm>>
      tpu.enqueue_dma source(%dma_start3A_74 : memref<82x128xi32, #tpu.memory_space<hbm>>) target(%arg8 : memref<82x128xi32, #tpu.memory_space<vmem>>) target_semaphore(%run_scoped3A : memref<!tpu.dma_semaphore, #tpu.memory_space<semaphore_mem>>)
      %dma_wait3A = arith.constant 0 : i32
      %dma_wait3A_75 = arith.constant 0 : i32
      %dma_wait3A_76 = tpu.memref_slice %arg4[%add3A_17, %arg1, %dma_wait3A, %dma_wait3A_75] : memref<8x16x82x128xi32, #tpu.memory_space<hbm>> -> memref<1x1x82x128xi32, #tpu.memory_space<hbm>>
      %dma_wait3A_77 = tpu.memref_squeeze %dma_wait3A_76 : memref<1x1x82x128xi32, #tpu.memory_space<hbm>> -> memref<82x128xi32, #tpu.memory_space<hbm>>
      %dma_wait3A_78 = arith.constant 0 : i32
      %dma_wait3A_79 = arith.constant 0 : i32
      %dma_wait3A_80 = tpu.memref_slice %arg4[%add3A_17, %arg1, %dma_wait3A_78, %dma_wait3A_79] : memref<8x16x82x128xi32, #tpu.memory_space<hbm>> -> memref<1x1x82x128xi32, #tpu.memory_space<hbm>>
      %dma_wait3A_81 = tpu.memref_squeeze %dma_wait3A_80 : memref<1x1x82x128xi32, #tpu.memory_space<hbm>> -> memref<82x128xi32, #tpu.memory_space<hbm>>
      tpu.wait_dma2 semaphore(%run_scoped3A : memref<!tpu.dma_semaphore, #tpu.memory_space<semaphore_mem>>) src(%dma_wait3A_81 : memref<82x128xi32, #tpu.memory_space<hbm>>) dst(%arg8 : memref<82x128xi32, #tpu.memory_space<vmem>>)
      tpu.yield
    }) : () -> ()
    %mul3A_18 = arith.constant 256 : i32
    %mul3A_19 = arith.muli %arg1, %mul3A_18 : i32
    "tpu.region"() ({
      %run_scoped3A = tpu.sem_alloc : memref<!tpu.dma_semaphore, #tpu.memory_space<semaphore_mem>>
      %dma_start3A = arith.constant 0 : i32
      %dma_start3A_68 = tpu.memref_slice %arg10[%mul3A_19, %dma_start3A] : memref<4104x128xf32, #tpu.memory_space<vmem_shared>> -> memref<256x128xf32, #tpu.memory_space<vmem_shared>>
      tpu.enqueue_dma source(%arg5 : memref<256x128xf32, #tpu.memory_space<hbm>>) target(%dma_start3A_68 : memref<256x128xf32, #tpu.memory_space<vmem_shared>>) target_semaphore(%run_scoped3A : memref<!tpu.dma_semaphore, #tpu.memory_space<semaphore_mem>>)
      %dma_wait3A = arith.constant 0 : i32
      %dma_wait3A_69 = tpu.memref_slice %arg10[%mul3A_19, %dma_wait3A] : memref<4104x128xf32, #tpu.memory_space<vmem_shared>> -> memref<256x128xf32, #tpu.memory_space<vmem_shared>>
      tpu.wait_dma2 semaphore(%run_scoped3A : memref<!tpu.dma_semaphore, #tpu.memory_space<semaphore_mem>>) src(%arg5 : memref<256x128xf32, #tpu.memory_space<hbm>>) dst(%dma_wait3A_69 : memref<256x128xf32, #tpu.memory_space<vmem_shared>>)
      tpu.yield
    }) : () -> ()
    %barrier3A_20 = arith.constant 0 : index
    tpu.barrier barrier_id(%barrier3A_20)
    %scan3A_21 = arith.constant 0 : i32
    %scan3A_22 = arith.constant 0 : i32
    %scan3A_23 = arith.constant 82 : i32
    %scan3A_24 = arith.addi %scan3A_22, %scan3A_23 : i32
    %scan3A_25 = arith.constant 1 : i32
    scf.for %scan3A_68 = %scan3A_22 to %scan3A_24 step %scan3A_25  : i32 {
      %dma_start3A = arith.constant 0 : i32
      %dma_start3A_69 = tpu.memref_slice %arg8[%scan3A_68, %dma_start3A] : memref<82x128xi32, #tpu.memory_space<vmem>> -> memref<1x128xi32, #tpu.memory_space<vmem>>
      %dma_start3A_70 = tpu.memref_squeeze %dma_start3A_69 : memref<1x128xi32, #tpu.memory_space<vmem>> -> memref<128xi32, #tpu.memory_space<vmem>>
      %dma_start3A_71 = arith.constant 0 : i32
      %dma_start3A_72 = arith.constant 0 : i32
      %dma_start3A_73 = tpu.memref_slice %arg2[%dma_start3A_71, %dma_start3A_72] : memref<32768x128xf32, #tpu.memory_space<hbm>> -> memref<32768x128xf32, #tpu.memory_space<hbm>>
      tpu.enqueue_indirect_dma source(%dma_start3A_73 : memref<32768x128xf32, #tpu.memory_space<hbm>>) target(%arg9 : memref<128x128xf32, #tpu.memory_space<vmem>>) offsets(%dma_start3A_70 : memref<128xi32, #tpu.memory_space<vmem>>) semaphore(%arg11 : memref<!tpu.dma_semaphore, #tpu.memory_space<semaphore_mem>>)
      %dma_wait3A = arith.constant 0 : i32
      %dma_wait3A_74 = tpu.memref_slice %arg8[%scan3A_68, %dma_wait3A] : memref<82x128xi32, #tpu.memory_space<vmem>> -> memref<1x128xi32, #tpu.memory_space<vmem>>
      %dma_wait3A_75 = tpu.memref_squeeze %dma_wait3A_74 : memref<1x128xi32, #tpu.memory_space<vmem>> -> memref<128xi32, #tpu.memory_space<vmem>>
      %dma_wait3A_76 = arith.constant 0 : i32
      %dma_wait3A_77 = arith.constant 0 : i32
      %dma_wait3A_78 = tpu.memref_slice %arg2[%dma_wait3A_76, %dma_wait3A_77] : memref<32768x128xf32, #tpu.memory_space<hbm>> -> memref<32768x128xf32, #tpu.memory_space<hbm>>
      tpu.wait_indirect_dma semaphore(%arg11 : memref<!tpu.dma_semaphore, #tpu.memory_space<semaphore_mem>>) src(%dma_wait3A_78 : memref<32768x128xf32, #tpu.memory_space<hbm>>) dst(%arg9 : memref<128x128xf32, #tpu.memory_space<vmem>>)
      %dma_start3A_79 = arith.constant 0 : i32
      %dma_start3A_80 = tpu.memref_slice %arg7[%scan3A_68, %dma_start3A_79] : memref<82x128xi32, #tpu.memory_space<vmem>> -> memref<1x128xi32, #tpu.memory_space<vmem>>
      %dma_start3A_81 = tpu.memref_squeeze %dma_start3A_80 : memref<1x128xi32, #tpu.memory_space<vmem>> -> memref<128xi32, #tpu.memory_space<vmem>>
      %dma_start3A_82 = arith.constant 0 : i32
      %dma_start3A_83 = arith.constant 0 : i32
      %dma_start3A_84 = tpu.memref_slice %arg10[%dma_start3A_82, %dma_start3A_83] : memref<4104x128xf32, #tpu.memory_space<vmem_shared>> -> memref<4104x128xf32, #tpu.memory_space<vmem_shared>>
      tpu.enqueue_indirect_dma source(%arg9 : memref<128x128xf32, #tpu.memory_space<vmem>>) target(%dma_start3A_84 : memref<4104x128xf32, #tpu.memory_space<vmem_shared>>) offsets(%dma_start3A_81 : memref<128xi32, #tpu.memory_space<vmem>>) semaphore(%arg12 : memref<!tpu.dma_semaphore, #tpu.memory_space<semaphore_mem>>) {add = true}
      %dma_wait3A_85 = arith.constant 0 : i32
      %dma_wait3A_86 = tpu.memref_slice %arg7[%scan3A_68, %dma_wait3A_85] : memref<82x128xi32, #tpu.memory_space<vmem>> -> memref<1x128xi32, #tpu.memory_space<vmem>>
      %dma_wait3A_87 = tpu.memref_squeeze %dma_wait3A_86 : memref<1x128xi32, #tpu.memory_space<vmem>> -> memref<128xi32, #tpu.memory_space<vmem>>
      %dma_wait3A_88 = arith.constant 0 : i32
      %dma_wait3A_89 = arith.constant 0 : i32
      %dma_wait3A_90 = tpu.memref_slice %arg10[%dma_wait3A_88, %dma_wait3A_89] : memref<4104x128xf32, #tpu.memory_space<vmem_shared>> -> memref<4104x128xf32, #tpu.memory_space<vmem_shared>>
      tpu.wait_indirect_dma semaphore(%arg12 : memref<!tpu.dma_semaphore, #tpu.memory_space<semaphore_mem>>) src(%arg9 : memref<128x128xf32, #tpu.memory_space<vmem>>) dst(%dma_wait3A_90 : memref<4104x128xf32, #tpu.memory_space<vmem_shared>>)
    }
    %scan3A_26 = arith.constant 82 : i32
    %barrier3A_27 = arith.constant 0 : index
    tpu.barrier barrier_id(%barrier3A_27)
    %mul3A_28 = arith.constant 256 : i32
    %mul3A_29 = arith.muli %arg1, %mul3A_28 : i32
    %mul3A_30 = arith.constant 256 : i32
    %mul3A_31 = arith.muli %arg1, %mul3A_30 : i32
    "tpu.region"() ({
      %run_scoped3A = tpu.sem_alloc : memref<!tpu.dma_semaphore, #tpu.memory_space<semaphore_mem>>
      %dma_start3A = arith.constant 0 : i32
      %dma_start3A_68 = tpu.memref_slice %arg6[%mul3A_31, %add3A_17, %dma_start3A] : memref<4096x8x128xf32, #tpu.memory_space<hbm>> -> memref<256x1x128xf32, #tpu.memory_space<hbm>>
      %dma_start3A_69 = tpu.memref_squeeze %dma_start3A_68 : memref<256x1x128xf32, #tpu.memory_space<hbm>> -> memref<256x128xf32, #tpu.memory_space<hbm>>
      %dma_start3A_70 = arith.constant 0 : i32
      %dma_start3A_71 = tpu.memref_slice %arg10[%mul3A_29, %dma_start3A_70] : memref<4104x128xf32, #tpu.memory_space<vmem_shared>> -> memref<256x128xf32, #tpu.memory_space<vmem_shared>>
      tpu.enqueue_dma source(%dma_start3A_71 : memref<256x128xf32, #tpu.memory_space<vmem_shared>>) target(%dma_start3A_69 : memref<256x128xf32, #tpu.memory_space<hbm>>) target_semaphore(%run_scoped3A : memref<!tpu.dma_semaphore, #tpu.memory_space<semaphore_mem>>)
      %dma_wait3A = arith.constant 0 : i32
      %dma_wait3A_72 = tpu.memref_slice %arg6[%mul3A_31, %add3A_17, %dma_wait3A] : memref<4096x8x128xf32, #tpu.memory_space<hbm>> -> memref<256x1x128xf32, #tpu.memory_space<hbm>>
      %dma_wait3A_73 = tpu.memref_squeeze %dma_wait3A_72 : memref<256x1x128xf32, #tpu.memory_space<hbm>> -> memref<256x128xf32, #tpu.memory_space<hbm>>
      %dma_wait3A_74 = arith.constant 0 : i32
      %dma_wait3A_75 = tpu.memref_slice %arg10[%mul3A_29, %dma_wait3A_74] : memref<4104x128xf32, #tpu.memory_space<vmem_shared>> -> memref<256x128xf32, #tpu.memory_space<vmem_shared>>
      tpu.wait_dma2 semaphore(%run_scoped3A : memref<!tpu.dma_semaphore, #tpu.memory_space<semaphore_mem>>) src(%dma_wait3A_75 : memref<256x128xf32, #tpu.memory_space<vmem_shared>>) dst(%dma_wait3A_73 : memref<256x128xf32, #tpu.memory_space<hbm>>)
      tpu.yield
    }) : () -> ()
    %mul3A_32 = arith.constant 4 : i32
    %mul3A_33 = arith.muli %arg0, %mul3A_32 : i32
    %add3A_34 = arith.constant 2 : i32
    %add3A_35 = arith.addi %mul3A_33, %add3A_34 : i32
    "tpu.region"() ({
      %run_scoped3A = tpu.sem_alloc : memref<!tpu.dma_semaphore, #tpu.memory_space<semaphore_mem>>
      %dma_start3A = arith.constant 0 : i32
      %dma_start3A_68 = arith.constant 0 : i32
      %dma_start3A_69 = tpu.memref_slice %arg4[%add3A_35, %arg1, %dma_start3A, %dma_start3A_68] : memref<8x16x82x128xi32, #tpu.memory_space<hbm>> -> memref<1x1x82x128xi32, #tpu.memory_space<hbm>>
      %dma_start3A_70 = tpu.memref_squeeze %dma_start3A_69 : memref<1x1x82x128xi32, #tpu.memory_space<hbm>> -> memref<82x128xi32, #tpu.memory_space<hbm>>
      %dma_start3A_71 = arith.constant 0 : i32
      %dma_start3A_72 = arith.constant 0 : i32
      %dma_start3A_73 = tpu.memref_slice %arg4[%add3A_35, %arg1, %dma_start3A_71, %dma_start3A_72] : memref<8x16x82x128xi32, #tpu.memory_space<hbm>> -> memref<1x1x82x128xi32, #tpu.memory_space<hbm>>
      %dma_start3A_74 = tpu.memref_squeeze %dma_start3A_73 : memref<1x1x82x128xi32, #tpu.memory_space<hbm>> -> memref<82x128xi32, #tpu.memory_space<hbm>>
      tpu.enqueue_dma source(%dma_start3A_74 : memref<82x128xi32, #tpu.memory_space<hbm>>) target(%arg8 : memref<82x128xi32, #tpu.memory_space<vmem>>) target_semaphore(%run_scoped3A : memref<!tpu.dma_semaphore, #tpu.memory_space<semaphore_mem>>)
      %dma_wait3A = arith.constant 0 : i32
      %dma_wait3A_75 = arith.constant 0 : i32
      %dma_wait3A_76 = tpu.memref_slice %arg4[%add3A_35, %arg1, %dma_wait3A, %dma_wait3A_75] : memref<8x16x82x128xi32, #tpu.memory_space<hbm>> -> memref<1x1x82x128xi32, #tpu.memory_space<hbm>>
      %dma_wait3A_77 = tpu.memref_squeeze %dma_wait3A_76 : memref<1x1x82x128xi32, #tpu.memory_space<hbm>> -> memref<82x128xi32, #tpu.memory_space<hbm>>
      %dma_wait3A_78 = arith.constant 0 : i32
      %dma_wait3A_79 = arith.constant 0 : i32
      %dma_wait3A_80 = tpu.memref_slice %arg4[%add3A_35, %arg1, %dma_wait3A_78, %dma_wait3A_79] : memref<8x16x82x128xi32, #tpu.memory_space<hbm>> -> memref<1x1x82x128xi32, #tpu.memory_space<hbm>>
      %dma_wait3A_81 = tpu.memref_squeeze %dma_wait3A_80 : memref<1x1x82x128xi32, #tpu.memory_space<hbm>> -> memref<82x128xi32, #tpu.memory_space<hbm>>
      tpu.wait_dma2 semaphore(%run_scoped3A : memref<!tpu.dma_semaphore, #tpu.memory_space<semaphore_mem>>) src(%dma_wait3A_81 : memref<82x128xi32, #tpu.memory_space<hbm>>) dst(%arg8 : memref<82x128xi32, #tpu.memory_space<vmem>>)
      tpu.yield
    }) : () -> ()
    %mul3A_36 = arith.constant 256 : i32
    %mul3A_37 = arith.muli %arg1, %mul3A_36 : i32
    "tpu.region"() ({
      %run_scoped3A = tpu.sem_alloc : memref<!tpu.dma_semaphore, #tpu.memory_space<semaphore_mem>>
      %dma_start3A = arith.constant 0 : i32
      %dma_start3A_68 = tpu.memref_slice %arg10[%mul3A_37, %dma_start3A] : memref<4104x128xf32, #tpu.memory_space<vmem_shared>> -> memref<256x128xf32, #tpu.memory_space<vmem_shared>>
      tpu.enqueue_dma source(%arg5 : memref<256x128xf32, #tpu.memory_space<hbm>>) target(%dma_start3A_68 : memref<256x128xf32, #tpu.memory_space<vmem_shared>>) target_semaphore(%run_scoped3A : memref<!tpu.dma_semaphore, #tpu.memory_space<semaphore_mem>>)
      %dma_wait3A = arith.constant 0 : i32
      %dma_wait3A_69 = tpu.memref_slice %arg10[%mul3A_37, %dma_wait3A] : memref<4104x128xf32, #tpu.memory_space<vmem_shared>> -> memref<256x128xf32, #tpu.memory_space<vmem_shared>>
      tpu.wait_dma2 semaphore(%run_scoped3A : memref<!tpu.dma_semaphore, #tpu.memory_space<semaphore_mem>>) src(%arg5 : memref<256x128xf32, #tpu.memory_space<hbm>>) dst(%dma_wait3A_69 : memref<256x128xf32, #tpu.memory_space<vmem_shared>>)
      tpu.yield
    }) : () -> ()
    %barrier3A_38 = arith.constant 0 : index
    tpu.barrier barrier_id(%barrier3A_38)
    %scan3A_39 = arith.constant 0 : i32
    %scan3A_40 = arith.constant 0 : i32
    %scan3A_41 = arith.constant 82 : i32
    %scan3A_42 = arith.addi %scan3A_40, %scan3A_41 : i32
    %scan3A_43 = arith.constant 1 : i32
    scf.for %scan3A_68 = %scan3A_40 to %scan3A_42 step %scan3A_43  : i32 {
      %dma_start3A = arith.constant 0 : i32
      %dma_start3A_69 = tpu.memref_slice %arg8[%scan3A_68, %dma_start3A] : memref<82x128xi32, #tpu.memory_space<vmem>> -> memref<1x128xi32, #tpu.memory_space<vmem>>
      %dma_start3A_70 = tpu.memref_squeeze %dma_start3A_69 : memref<1x128xi32, #tpu.memory_space<vmem>> -> memref<128xi32, #tpu.memory_space<vmem>>
      %dma_start3A_71 = arith.constant 0 : i32
      %dma_start3A_72 = arith.constant 0 : i32
      %dma_start3A_73 = tpu.memref_slice %arg2[%dma_start3A_71, %dma_start3A_72] : memref<32768x128xf32, #tpu.memory_space<hbm>> -> memref<32768x128xf32, #tpu.memory_space<hbm>>
      tpu.enqueue_indirect_dma source(%dma_start3A_73 : memref<32768x128xf32, #tpu.memory_space<hbm>>) target(%arg9 : memref<128x128xf32, #tpu.memory_space<vmem>>) offsets(%dma_start3A_70 : memref<128xi32, #tpu.memory_space<vmem>>) semaphore(%arg11 : memref<!tpu.dma_semaphore, #tpu.memory_space<semaphore_mem>>)
      %dma_wait3A = arith.constant 0 : i32
      %dma_wait3A_74 = tpu.memref_slice %arg8[%scan3A_68, %dma_wait3A] : memref<82x128xi32, #tpu.memory_space<vmem>> -> memref<1x128xi32, #tpu.memory_space<vmem>>
      %dma_wait3A_75 = tpu.memref_squeeze %dma_wait3A_74 : memref<1x128xi32, #tpu.memory_space<vmem>> -> memref<128xi32, #tpu.memory_space<vmem>>
      %dma_wait3A_76 = arith.constant 0 : i32
      %dma_wait3A_77 = arith.constant 0 : i32
      %dma_wait3A_78 = tpu.memref_slice %arg2[%dma_wait3A_76, %dma_wait3A_77] : memref<32768x128xf32, #tpu.memory_space<hbm>> -> memref<32768x128xf32, #tpu.memory_space<hbm>>
      tpu.wait_indirect_dma semaphore(%arg11 : memref<!tpu.dma_semaphore, #tpu.memory_space<semaphore_mem>>) src(%dma_wait3A_78 : memref<32768x128xf32, #tpu.memory_space<hbm>>) dst(%arg9 : memref<128x128xf32, #tpu.memory_space<vmem>>)
      %dma_start3A_79 = arith.constant 0 : i32
      %dma_start3A_80 = tpu.memref_slice %arg7[%scan3A_68, %dma_start3A_79] : memref<82x128xi32, #tpu.memory_space<vmem>> -> memref<1x128xi32, #tpu.memory_space<vmem>>
      %dma_start3A_81 = tpu.memref_squeeze %dma_start3A_80 : memref<1x128xi32, #tpu.memory_space<vmem>> -> memref<128xi32, #tpu.memory_space<vmem>>
      %dma_start3A_82 = arith.constant 0 : i32
      %dma_start3A_83 = arith.constant 0 : i32
      %dma_start3A_84 = tpu.memref_slice %arg10[%dma_start3A_82, %dma_start3A_83] : memref<4104x128xf32, #tpu.memory_space<vmem_shared>> -> memref<4104x128xf32, #tpu.memory_space<vmem_shared>>
      tpu.enqueue_indirect_dma source(%arg9 : memref<128x128xf32, #tpu.memory_space<vmem>>) target(%dma_start3A_84 : memref<4104x128xf32, #tpu.memory_space<vmem_shared>>) offsets(%dma_start3A_81 : memref<128xi32, #tpu.memory_space<vmem>>) semaphore(%arg12 : memref<!tpu.dma_semaphore, #tpu.memory_space<semaphore_mem>>) {add = true}
      %dma_wait3A_85 = arith.constant 0 : i32
      %dma_wait3A_86 = tpu.memref_slice %arg7[%scan3A_68, %dma_wait3A_85] : memref<82x128xi32, #tpu.memory_space<vmem>> -> memref<1x128xi32, #tpu.memory_space<vmem>>
      %dma_wait3A_87 = tpu.memref_squeeze %dma_wait3A_86 : memref<1x128xi32, #tpu.memory_space<vmem>> -> memref<128xi32, #tpu.memory_space<vmem>>
      %dma_wait3A_88 = arith.constant 0 : i32
      %dma_wait3A_89 = arith.constant 0 : i32
      %dma_wait3A_90 = tpu.memref_slice %arg10[%dma_wait3A_88, %dma_wait3A_89] : memref<4104x128xf32, #tpu.memory_space<vmem_shared>> -> memref<4104x128xf32, #tpu.memory_space<vmem_shared>>
      tpu.wait_indirect_dma semaphore(%arg12 : memref<!tpu.dma_semaphore, #tpu.memory_space<semaphore_mem>>) src(%arg9 : memref<128x128xf32, #tpu.memory_space<vmem>>) dst(%dma_wait3A_90 : memref<4104x128xf32, #tpu.memory_space<vmem_shared>>)
    }
    %scan3A_44 = arith.constant 82 : i32
    %barrier3A_45 = arith.constant 0 : index
    tpu.barrier barrier_id(%barrier3A_45)
    %mul3A_46 = arith.constant 256 : i32
    %mul3A_47 = arith.muli %arg1, %mul3A_46 : i32
    %mul3A_48 = arith.constant 256 : i32
    %mul3A_49 = arith.muli %arg1, %mul3A_48 : i32
    "tpu.region"() ({
      %run_scoped3A = tpu.sem_alloc : memref<!tpu.dma_semaphore, #tpu.memory_space<semaphore_mem>>
      %dma_start3A = arith.constant 0 : i32
      %dma_start3A_68 = tpu.memref_slice %arg6[%mul3A_49, %add3A_35, %dma_start3A] : memref<4096x8x128xf32, #tpu.memory_space<hbm>> -> memref<256x1x128xf32, #tpu.memory_space<hbm>>
      %dma_start3A_69 = tpu.memref_squeeze %dma_start3A_68 : memref<256x1x128xf32, #tpu.memory_space<hbm>> -> memref<256x128xf32, #tpu.memory_space<hbm>>
      %dma_start3A_70 = arith.constant 0 : i32
      %dma_start3A_71 = tpu.memref_slice %arg10[%mul3A_47, %dma_start3A_70] : memref<4104x128xf32, #tpu.memory_space<vmem_shared>> -> memref<256x128xf32, #tpu.memory_space<vmem_shared>>
      tpu.enqueue_dma source(%dma_start3A_71 : memref<256x128xf32, #tpu.memory_space<vmem_shared>>) target(%dma_start3A_69 : memref<256x128xf32, #tpu.memory_space<hbm>>) target_semaphore(%run_scoped3A : memref<!tpu.dma_semaphore, #tpu.memory_space<semaphore_mem>>)
      %dma_wait3A = arith.constant 0 : i32
      %dma_wait3A_72 = tpu.memref_slice %arg6[%mul3A_49, %add3A_35, %dma_wait3A] : memref<4096x8x128xf32, #tpu.memory_space<hbm>> -> memref<256x1x128xf32, #tpu.memory_space<hbm>>
      %dma_wait3A_73 = tpu.memref_squeeze %dma_wait3A_72 : memref<256x1x128xf32, #tpu.memory_space<hbm>> -> memref<256x128xf32, #tpu.memory_space<hbm>>
      %dma_wait3A_74 = arith.constant 0 : i32
      %dma_wait3A_75 = tpu.memref_slice %arg10[%mul3A_47, %dma_wait3A_74] : memref<4104x128xf32, #tpu.memory_space<vmem_shared>> -> memref<256x128xf32, #tpu.memory_space<vmem_shared>>
      tpu.wait_dma2 semaphore(%run_scoped3A : memref<!tpu.dma_semaphore, #tpu.memory_space<semaphore_mem>>) src(%dma_wait3A_75 : memref<256x128xf32, #tpu.memory_space<vmem_shared>>) dst(%dma_wait3A_73 : memref<256x128xf32, #tpu.memory_space<hbm>>)
      tpu.yield
    }) : () -> ()
    %mul3A_50 = arith.constant 4 : i32
    %mul3A_51 = arith.muli %arg0, %mul3A_50 : i32
    %add3A_52 = arith.constant 3 : i32
    %add3A_53 = arith.addi %mul3A_51, %add3A_52 : i32
    "tpu.region"() ({
      %run_scoped3A = tpu.sem_alloc : memref<!tpu.dma_semaphore, #tpu.memory_space<semaphore_mem>>
      %dma_start3A = arith.constant 0 : i32
      %dma_start3A_68 = arith.constant 0 : i32
      %dma_start3A_69 = tpu.memref_slice %arg4[%add3A_53, %arg1, %dma_start3A, %dma_start3A_68] : memref<8x16x82x128xi32, #tpu.memory_space<hbm>> -> memref<1x1x82x128xi32, #tpu.memory_space<hbm>>
      %dma_start3A_70 = tpu.memref_squeeze %dma_start3A_69 : memref<1x1x82x128xi32, #tpu.memory_space<hbm>> -> memref<82x128xi32, #tpu.memory_space<hbm>>
      %dma_start3A_71 = arith.constant 0 : i32
      %dma_start3A_72 = arith.constant 0 : i32
      %dma_start3A_73 = tpu.memref_slice %arg4[%add3A_53, %arg1, %dma_start3A_71, %dma_start3A_72] : memref<8x16x82x128xi32, #tpu.memory_space<hbm>> -> memref<1x1x82x128xi32, #tpu.memory_space<hbm>>
      %dma_start3A_74 = tpu.memref_squeeze %dma_start3A_73 : memref<1x1x82x128xi32, #tpu.memory_space<hbm>> -> memref<82x128xi32, #tpu.memory_space<hbm>>
      tpu.enqueue_dma source(%dma_start3A_74 : memref<82x128xi32, #tpu.memory_space<hbm>>) target(%arg8 : memref<82x128xi32, #tpu.memory_space<vmem>>) target_semaphore(%run_scoped3A : memref<!tpu.dma_semaphore, #tpu.memory_space<semaphore_mem>>)
      %dma_wait3A = arith.constant 0 : i32
      %dma_wait3A_75 = arith.constant 0 : i32
      %dma_wait3A_76 = tpu.memref_slice %arg4[%add3A_53, %arg1, %dma_wait3A, %dma_wait3A_75] : memref<8x16x82x128xi32, #tpu.memory_space<hbm>> -> memref<1x1x82x128xi32, #tpu.memory_space<hbm>>
      %dma_wait3A_77 = tpu.memref_squeeze %dma_wait3A_76 : memref<1x1x82x128xi32, #tpu.memory_space<hbm>> -> memref<82x128xi32, #tpu.memory_space<hbm>>
      %dma_wait3A_78 = arith.constant 0 : i32
      %dma_wait3A_79 = arith.constant 0 : i32
      %dma_wait3A_80 = tpu.memref_slice %arg4[%add3A_53, %arg1, %dma_wait3A_78, %dma_wait3A_79] : memref<8x16x82x128xi32, #tpu.memory_space<hbm>> -> memref<1x1x82x128xi32, #tpu.memory_space<hbm>>
      %dma_wait3A_81 = tpu.memref_squeeze %dma_wait3A_80 : memref<1x1x82x128xi32, #tpu.memory_space<hbm>> -> memref<82x128xi32, #tpu.memory_space<hbm>>
      tpu.wait_dma2 semaphore(%run_scoped3A : memref<!tpu.dma_semaphore, #tpu.memory_space<semaphore_mem>>) src(%dma_wait3A_81 : memref<82x128xi32, #tpu.memory_space<hbm>>) dst(%arg8 : memref<82x128xi32, #tpu.memory_space<vmem>>)
      tpu.yield
    }) : () -> ()
    %mul3A_54 = arith.constant 256 : i32
    %mul3A_55 = arith.muli %arg1, %mul3A_54 : i32
    "tpu.region"() ({
      %run_scoped3A = tpu.sem_alloc : memref<!tpu.dma_semaphore, #tpu.memory_space<semaphore_mem>>
      %dma_start3A = arith.constant 0 : i32
      %dma_start3A_68 = tpu.memref_slice %arg10[%mul3A_55, %dma_start3A] : memref<4104x128xf32, #tpu.memory_space<vmem_shared>> -> memref<256x128xf32, #tpu.memory_space<vmem_shared>>
      tpu.enqueue_dma source(%arg5 : memref<256x128xf32, #tpu.memory_space<hbm>>) target(%dma_start3A_68 : memref<256x128xf32, #tpu.memory_space<vmem_shared>>) target_semaphore(%run_scoped3A : memref<!tpu.dma_semaphore, #tpu.memory_space<semaphore_mem>>)
      %dma_wait3A = arith.constant 0 : i32
      %dma_wait3A_69 = tpu.memref_slice %arg10[%mul3A_55, %dma_wait3A] : memref<4104x128xf32, #tpu.memory_space<vmem_shared>> -> memref<256x128xf32, #tpu.memory_space<vmem_shared>>
      tpu.wait_dma2 semaphore(%run_scoped3A : memref<!tpu.dma_semaphore, #tpu.memory_space<semaphore_mem>>) src(%arg5 : memref<256x128xf32, #tpu.memory_space<hbm>>) dst(%dma_wait3A_69 : memref<256x128xf32, #tpu.memory_space<vmem_shared>>)
      tpu.yield
    }) : () -> ()
    %barrier3A_56 = arith.constant 0 : index
    tpu.barrier barrier_id(%barrier3A_56)
    %scan3A_57 = arith.constant 0 : i32
    %scan3A_58 = arith.constant 0 : i32
    %scan3A_59 = arith.constant 82 : i32
    %scan3A_60 = arith.addi %scan3A_58, %scan3A_59 : i32
    %scan3A_61 = arith.constant 1 : i32
    scf.for %scan3A_68 = %scan3A_58 to %scan3A_60 step %scan3A_61  : i32 {
      %dma_start3A = arith.constant 0 : i32
      %dma_start3A_69 = tpu.memref_slice %arg8[%scan3A_68, %dma_start3A] : memref<82x128xi32, #tpu.memory_space<vmem>> -> memref<1x128xi32, #tpu.memory_space<vmem>>
      %dma_start3A_70 = tpu.memref_squeeze %dma_start3A_69 : memref<1x128xi32, #tpu.memory_space<vmem>> -> memref<128xi32, #tpu.memory_space<vmem>>
      %dma_start3A_71 = arith.constant 0 : i32
      %dma_start3A_72 = arith.constant 0 : i32
      %dma_start3A_73 = tpu.memref_slice %arg2[%dma_start3A_71, %dma_start3A_72] : memref<32768x128xf32, #tpu.memory_space<hbm>> -> memref<32768x128xf32, #tpu.memory_space<hbm>>
      tpu.enqueue_indirect_dma source(%dma_start3A_73 : memref<32768x128xf32, #tpu.memory_space<hbm>>) target(%arg9 : memref<128x128xf32, #tpu.memory_space<vmem>>) offsets(%dma_start3A_70 : memref<128xi32, #tpu.memory_space<vmem>>) semaphore(%arg11 : memref<!tpu.dma_semaphore, #tpu.memory_space<semaphore_mem>>)
      %dma_wait3A = arith.constant 0 : i32
      %dma_wait3A_74 = tpu.memref_slice %arg8[%scan3A_68, %dma_wait3A] : memref<82x128xi32, #tpu.memory_space<vmem>> -> memref<1x128xi32, #tpu.memory_space<vmem>>
      %dma_wait3A_75 = tpu.memref_squeeze %dma_wait3A_74 : memref<1x128xi32, #tpu.memory_space<vmem>> -> memref<128xi32, #tpu.memory_space<vmem>>
      %dma_wait3A_76 = arith.constant 0 : i32
      %dma_wait3A_77 = arith.constant 0 : i32
      %dma_wait3A_78 = tpu.memref_slice %arg2[%dma_wait3A_76, %dma_wait3A_77] : memref<32768x128xf32, #tpu.memory_space<hbm>> -> memref<32768x128xf32, #tpu.memory_space<hbm>>
      tpu.wait_indirect_dma semaphore(%arg11 : memref<!tpu.dma_semaphore, #tpu.memory_space<semaphore_mem>>) src(%dma_wait3A_78 : memref<32768x128xf32, #tpu.memory_space<hbm>>) dst(%arg9 : memref<128x128xf32, #tpu.memory_space<vmem>>)
      %dma_start3A_79 = arith.constant 0 : i32
      %dma_start3A_80 = tpu.memref_slice %arg7[%scan3A_68, %dma_start3A_79] : memref<82x128xi32, #tpu.memory_space<vmem>> -> memref<1x128xi32, #tpu.memory_space<vmem>>
      %dma_start3A_81 = tpu.memref_squeeze %dma_start3A_80 : memref<1x128xi32, #tpu.memory_space<vmem>> -> memref<128xi32, #tpu.memory_space<vmem>>
      %dma_start3A_82 = arith.constant 0 : i32
      %dma_start3A_83 = arith.constant 0 : i32
      %dma_start3A_84 = tpu.memref_slice %arg10[%dma_start3A_82, %dma_start3A_83] : memref<4104x128xf32, #tpu.memory_space<vmem_shared>> -> memref<4104x128xf32, #tpu.memory_space<vmem_shared>>
      tpu.enqueue_indirect_dma source(%arg9 : memref<128x128xf32, #tpu.memory_space<vmem>>) target(%dma_start3A_84 : memref<4104x128xf32, #tpu.memory_space<vmem_shared>>) offsets(%dma_start3A_81 : memref<128xi32, #tpu.memory_space<vmem>>) semaphore(%arg12 : memref<!tpu.dma_semaphore, #tpu.memory_space<semaphore_mem>>) {add = true}
      %dma_wait3A_85 = arith.constant 0 : i32
      %dma_wait3A_86 = tpu.memref_slice %arg7[%scan3A_68, %dma_wait3A_85] : memref<82x128xi32, #tpu.memory_space<vmem>> -> memref<1x128xi32, #tpu.memory_space<vmem>>
      %dma_wait3A_87 = tpu.memref_squeeze %dma_wait3A_86 : memref<1x128xi32, #tpu.memory_space<vmem>> -> memref<128xi32, #tpu.memory_space<vmem>>
      %dma_wait3A_88 = arith.constant 0 : i32
      %dma_wait3A_89 = arith.constant 0 : i32
      %dma_wait3A_90 = tpu.memref_slice %arg10[%dma_wait3A_88, %dma_wait3A_89] : memref<4104x128xf32, #tpu.memory_space<vmem_shared>> -> memref<4104x128xf32, #tpu.memory_space<vmem_shared>>
      tpu.wait_indirect_dma semaphore(%arg12 : memref<!tpu.dma_semaphore, #tpu.memory_space<semaphore_mem>>) src(%arg9 : memref<128x128xf32, #tpu.memory_space<vmem>>) dst(%dma_wait3A_90 : memref<4104x128xf32, #tpu.memory_space<vmem_shared>>)
    }
    %scan3A_62 = arith.constant 82 : i32
    %barrier3A_63 = arith.constant 0 : index
    tpu.barrier barrier_id(%barrier3A_63)
    %mul3A_64 = arith.constant 256 : i32
    %mul3A_65 = arith.muli %arg1, %mul3A_64 : i32
    %mul3A_66 = arith.constant 256 : i32
    %mul3A_67 = arith.muli %arg1, %mul3A_66 : i32
    "tpu.region"() ({
      %run_scoped3A = tpu.sem_alloc : memref<!tpu.dma_semaphore, #tpu.memory_space<semaphore_mem>>
      %dma_start3A = arith.constant 0 : i32
      %dma_start3A_68 = tpu.memref_slice %arg6[%mul3A_67, %add3A_53, %dma_start3A] : memref<4096x8x128xf32, #tpu.memory_space<hbm>> -> memref<256x1x128xf32, #tpu.memory_space<hbm>>
      %dma_start3A_69 = tpu.memref_squeeze %dma_start3A_68 : memref<256x1x128xf32, #tpu.memory_space<hbm>> -> memref<256x128xf32, #tpu.memory_space<hbm>>
      %dma_start3A_70 = arith.constant 0 : i32
      %dma_start3A_71 = tpu.memref_slice %arg10[%mul3A_65, %dma_start3A_70] : memref<4104x128xf32, #tpu.memory_space<vmem_shared>> -> memref<256x128xf32, #tpu.memory_space<vmem_shared>>
      tpu.enqueue_dma source(%dma_start3A_71 : memref<256x128xf32, #tpu.memory_space<vmem_shared>>) target(%dma_start3A_69 : memref<256x128xf32, #tpu.memory_space<hbm>>) target_semaphore(%run_scoped3A : memref<!tpu.dma_semaphore, #tpu.memory_space<semaphore_mem>>)
      %dma_wait3A = arith.constant 0 : i32
      %dma_wait3A_72 = tpu.memref_slice %arg6[%mul3A_67, %add3A_53, %dma_wait3A] : memref<4096x8x128xf32, #tpu.memory_space<hbm>> -> memref<256x1x128xf32, #tpu.memory_space<hbm>>
      %dma_wait3A_73 = tpu.memref_squeeze %dma_wait3A_72 : memref<256x1x128xf32, #tpu.memory_space<hbm>> -> memref<256x128xf32, #tpu.memory_space<hbm>>
      %dma_wait3A_74 = arith.constant 0 : i32
      %dma_wait3A_75 = tpu.memref_slice %arg10[%mul3A_65, %dma_wait3A_74] : memref<4104x128xf32, #tpu.memory_space<vmem_shared>> -> memref<256x128xf32, #tpu.memory_space<vmem_shared>>
      tpu.wait_dma2 semaphore(%run_scoped3A : memref<!tpu.dma_semaphore, #tpu.memory_space<semaphore_mem>>) src(%dma_wait3A_75 : memref<256x128xf32, #tpu.memory_space<vmem_shared>>) dst(%dma_wait3A_73 : memref<256x128xf32, #tpu.memory_space<hbm>>)
      tpu.yield
    }) : () -> ()
    return
  }
}

</mosaic_0001>

<sc_bundles>
// kernel: kernel.3.cloned.1.call-start
scs
__scs_entry_jumppad:
0x0: {  	(pc) =	sbr.rel $0x88, $3  }
0x1: {  	(tag) =	ssettag $0x0;
	lr =	simm.s32 $0x1  }
0x2: {  	[smem:$0x3F9E] =	sst lr;
	_ =	strace $0xD0000000  }
0x3: {  	_ = 	snop  }
0x4: {  	_ = 	snop  }
0x5: {  	_ = 	snop  }
0x6: {  	_ = 	snop  }
0x7: {  	_ = 	snop  }
__scs_overlays_trampoline_lowered:
0x8: {  	[smem:$0x3FAD] =	sst s0  }
0x9: {  	[smem:$0x3FAE] =	sst s1  }
0xa: {  	[smem:$0x3FAF] =	sst s2  }
0xb: {  	[smem:$0x3FB0] =	sst s3  }
0xc: {  	[smem:$0x3FB1] =	sst s4  }
0xd: {  	[smem:$0x3FB2] =	sst s5  }
0xe: {  	[smem:$0x3FB3] =	sst s6  }
0xf: {  	[smem:$0x3FB4] =	sst s7  }
0x10: {  	[smem:$0x3FB5] =	sst s8  }
0x11: {  	[smem:$0x3FB6] =	sst s9;
	s0 =	simm.s32 @!p0 $0x0  }
0x12: {  	s1 =	sld [smem:$0x3F9C];
	s0 =	simm.s32 @p0 $0x1  }
0x13: {  	[smem:$0x3FB7] =	sst s0;
	s0 =	simm.s32 @!p1 $0x0  }
0x14: {  	s2 =	sld [smem:$0x3F9B];
	s0 =	simm.s32 @p1 $0x1  }
0x15: {  	[smem:$0x3FB8] =	sst s0;
	s0 =	simm.s32 @!p2 $0x0  }
0x16: {  	s3 =	sld [smem:$0x3FDB];
	s0 =	simm.s32 @p2 $0x1  }
0x17: {  	s4 =	simm.s32 $0x1BF5;
	[smem:$0x3FBA] =	sst s0  }
0x18: {  	s0 =	sld [smem:$0x3F9D];
	_ =	swait.ge [sflag:s4], $0x0  }
0x19: {  	s7 =	sld [smem:$0x3F9E]  }
0x1a: {  	s8 =	sadd.s32 $0xFFFFE003, lr  }
0x1b: {  	s9 =	sadd.s32 $0xFFFFFEF7, lr;
	s5 =	simm.s32 $0xFFFFFFFF;
	p2 =	slt.u32 s8, $0xFFFFF086  }
0x1c: {  	p1 =	slt.u32 s9, $0xF7A;
	s5 =	simm.s32 @!p2 $0x0  }
0x1d: {  	s5 =	simm.s32 @p1 $0x1;
	p0 =	seq.s32 s7, s2  }
0x1e: {  	s7 =	smul.u32 @!p0 $0xF7A, s2;
	p2 =	seq.s32 @!p0 s5, $0x0  }
0x1f: {  	s9 =	smul.u32 $0xF7A, s1;
	s8 =	simm.s32 @!p0 $0x1BF5;
	p2 =	por !p2, p0  }
0x20: {  	[sflag:s8] =	ssyncset.s32 @!p0 $0xFFFFF086;
	s6 =	sadd.s32 @!p0 s3, s7;
	s7 =	simm.s32 @!p0 $0x108  }
0x21: {  	s3 =	sadd.s32 s3, s9;
	s6 =	sadd.s32 @!p0 $0x88, s6;
	s7 =	simm.s32 @p2 $0x1082  }
0x22: {  	[simem:s7], [sflag:s8] =	dma.local @!p0 [hbm:s6], $0xF7A  }
0x23: {  	s9 =	sor.u32 $0xD0000000, s2;
	s6 =	simm.s32 $0x108;
	_ =	swait.ge @!p0 [sflag:s8], $0x0  }
0x24: {  	s3 =	sadd.s32 $0x88, s3;
	s6 =	simm.s32 @!p1 $0x1082;
	[sflag:s4] =	ssyncset.s32 $0xFFFFF086  }
0x25: {  	[simem:s6], [sflag:s4] =	dma.local [hbm:s3], $0xF7A  }
0x26: {  	[smem:$0x3F9E] =	sst s1;
	(tag) =	ssettag s2;
	_ =	strace s9  }
0x27: {  	s1 =	sld [smem:$0x3FAE]  }
0x28: {  	s2 =	sld [smem:$0x3FAF]  }
0x29: {  	s4 =	sld [smem:$0x3FB1]  }
0x2a: {  	p0 =	seq.s32 s5, $0x0;
	s5 =	sld [smem:$0x3FB2]  }
0x2b: {  	s6 =	sld [smem:$0x3FB3]  }
0x2c: {  	s7 =	sld [smem:$0x3FB4]  }
0x2d: {  	s3 =	simm.s32 $0x108;
	s8 =	sld [smem:$0x3FB5]  }
0x2e: {  	s3 =	simm.s32 @!p0 $0x1082;
	s9 =	sld [smem:$0x3FB6]  }
0x2f: {  	lr =	sadd.s32 s0, s3;
	s0 =	sld [smem:$0x3FAD]  }
0x30: {  	s3 =	sld [smem:$0x3FB0]  }
0x31: {  	[smem:$0x3FB9] =	sst s10  }
0x32: {  	s10 =	sld [smem:$0x3FB7];
	_ =	sdelay $0x3  }
0x33: {  	p0 =	seq.s32 s10, $0x1;
	s10 =	sld [smem:$0x3FB9];
	_ =	sdelay $0x3  }
0x34: {  	[smem:$0x3FB9] =	sst s10  }
0x35: {  	s10 =	sld [smem:$0x3FB8];
	_ =	sdelay $0x3  }
0x36: {  	p1 =	seq.s32 s10, $0x1;
	s10 =	sld [smem:$0x3FB9];
	_ =	sdelay $0x3  }
0x37: {  	[smem:$0x3FB9] =	sst s10  }
0x38: {  	s10 =	sld [smem:$0x3FBA]  }
0x39: {  	_ = 	snop;
	(pc) =	sbr.ind lr, $3  }
0x3a: {  	_ = 	snop  }
0x3b: {  	_ = 	snop  }
0x3c: {  	p2 =	seq.s32 s10, $0x1;
	s10 =	sld [smem:$0x3FB9]  }
0x3d: {  	_ =	shalt  }
0x3e: {  	_ =	shalt  }
0x3f: {  	_ =	shalt  }
0x40: {  	_ =	shalt  }
0x41: {  	_ =	shalt  }
0x42: {  	_ =	shalt  }
0x43: {  	_ =	shalt  }
0x44: {  	_ =	shalt  }
0x45: {  	_ =	shalt  }
0x46: {  	_ =	shalt  }
0x47: {  	_ =	shalt  }
0x48: {  	_ =	shalt  }
0x49: {  	_ =	shalt  }
0x4a: {  	_ =	shalt  }
0x4b: {  	_ =	shalt  }
0x4c: {  	_ =	shalt  }
0x4d: {  	_ =	shalt  }
0x4e: {  	_ =	shalt  }
0x4f: {  	_ =	shalt  }
0x50: {  	_ =	shalt  }
0x51: {  	_ =	shalt  }
0x52: {  	_ =	shalt  }
0x53: {  	_ =	shalt  }
0x54: {  	_ =	shalt  }
0x55: {  	_ =	shalt  }
0x56: {  	_ =	shalt  }
0x57: {  	_ =	shalt  }
0x58: {  	_ =	shalt  }
0x59: {  	_ =	shalt  }
0x5a: {  	_ =	shalt  }
0x5b: {  	_ =	shalt  }
0x5c: {  	_ =	shalt  }
0x5d: {  	_ =	shalt  }
0x5e: {  	_ =	shalt  }
0x5f: {  	_ =	shalt  }
0x60: {  	_ =	shalt  }
0x61: {  	_ =	shalt  }
0x62: {  	_ =	shalt  }
0x63: {  	_ =	shalt  }
0x64: {  	_ =	shalt  }
0x65: {  	_ =	shalt  }
0x66: {  	_ =	shalt  }
0x67: {  	_ =	shalt  }
0x68: {  	_ =	shalt  }
0x69: {  	_ =	shalt  }
0x6a: {  	_ =	shalt  }
0x6b: {  	_ =	shalt  }
0x6c: {  	_ =	shalt  }
0x6d: {  	_ =	shalt  }
0x6e: {  	_ =	shalt  }
0x6f: {  	_ =	shalt  }
0x70: {  	_ =	shalt  }
0x71: {  	_ =	shalt  }
0x72: {  	_ =	shalt  }
0x73: {  	_ =	shalt  }
0x74: {  	_ =	shalt  }
0x75: {  	_ =	shalt  }
0x76: {  	_ =	shalt  }
0x77: {  	_ =	shalt  }
0x78: {  	_ =	shalt  }
0x79: {  	_ =	shalt  }
0x7a: {  	_ =	shalt  }
0x7b: {  	_ =	shalt  }
0x7c: {  	_ =	shalt  }
0x7d: {  	_ =	shalt  }
0x7e: {  	_ =	shalt  }
0x7f: {  	_ =	shalt  }
0x80: {  	_ =	shalt  }
0x81: {  	_ =	shalt  }
0x82: {  	_ =	shalt  }
0x83: {  	_ =	shalt  }
0x84: {  	_ =	shalt  }
0x85: {  	_ =	shalt  }
0x86: {  	_ =	shalt  }
0x87: {  	_ =	shalt  }
.Lfunc_end0:
.L_simem_size_0:
called_computation_lowered:
.L_overlay_start_0:
0x88: {  	s2 =	sld [smem:$0x3FD9]  }
0x89: {  	s3 =	sld [smem:$0x3FFE];
	_ =	sdelay $0x1  }
0x8a: {  	s1 =	srdreg.scid  }
0x8b: {  	s0 =	sand.u32 $0x1, s1  }
0x8c: {  	s17 =	sshll.u32 s0, $0xA;
	s2 =	sadd.s32 s3, s2  }
0x8d: {  	s2 =	sadd.s32 s2, s17  }
0x8e: {  	[smem:$0x3FC5] =	sst s2  }
0x8f: {  	_ = 	snop  }
0x90: {  	s2 =	sld [smem:$0x3FD0];
	(tm) =	ssettm $0x1  }
0x91: {  	s18 =	sld [smem:$0x3FFB];
	_ =	sdelay $0x3  }
0x92: {  	_ =	strace s18  }
0x93: {  	s3 =	sld [smem:$0x3FFC];
	_ =	sdelay $0x3  }
0x94: {  	_ =	strace s3  }
0x95: {  	s3 =	sld [smem:$0x3FFD];
	_ =	sdelay $0x3  }
0x96: {  	_ =	strace s3  }
0x97: {  	_ =	strace $0x8FFFFFFF  }
0x98: {  	s19 =	sld [smem:$0x3FDB];
	_ =	sdelay $0x1  }
0x99: {  	s4 =	simm.s32 $_scs_section_size  }
0x9a: {  	s5 =	simm.s32 $_size__tile_overlayer_lowered;
	s6 =	simm.s32 $_tile_overlayer_lowered  }
0x9b: {  	s22 =	simm.s32 $0x1BFF;
	s21 =	sshll.u32 s6, $0x1;
	s3 =	sadd.s32 s4, s19  }
0x9c: {  	s7 =	simm.s32 $0x0;
	s20 =	sshll.u32 s5, $0x1;
	s5 =	sadd.s32 s21, s3  }
0x9d: {  	[timem:s7], [sflag:s22] =	dma.local [hbm:s5], s20  }
0x9e: {  	_ =	swait.ge [sflag:s22], s20  }
0x9f: {  	s4 =	ssub.s32 $0x0, s20;
	[sflag:s22] =	ssyncset.done $0x0  }
0xa0: {  	[sflag:s22] =	ssyncadd.s32 s4;
	_ =	sdelay $0x1  }
0xa1: {  	s23 =	simm.s32 $0x1B8B  }
0xa2: {  	_ =	swait.ge [sflag:s23], $0x1  }
0xa3: {  	[sflag:s23] =	ssyncset.done $0x0  }
0xa4: {  	s25 =	simm.s32 $0x1B8E;
	s24 =	sld [smem:$0x3FFE];
	[sflag:s23] =	ssyncadd.s32 $0xFFFFFFFF  }
0xa5: {  	s26 =	simm.s32 $execute0_lowered;
	[smem:$0x3FD2] =	sst s25  }
0xa6: {  	s5 =	sshll.u32 s26, $0x1;
	_ =	strace $0x80000046;
	[dreg:$0x1] =	wrdreg $0xFFFFFFFF  }
0xa7: {  	s28 =	simm.s32 $_size_execute0_lowered;
	s3 =	sadd.s32 s3, s5;
	[dreg:$0x0] =	wrdreg $0x0  }
0xa8: {  	s5 =	sshll.u32 s28, $0x1;
	[dreg:$0x2] =	wrdreg s3  }
0xa9: {  	[dreg:$0x3] =	wrdreg s5  }
0xaa: {  	[dreg:$0x4] =	wrdreg $0xC0  }
0xab: {  	_ =	task [dreg:s7], $0x5FFFF  }
0xac: {  	[dreg:$0x1] =	wrdreg $0xFFFFFFFF  }
0xad: {  	[dreg:$0x0] =	wrdreg $0x60  }
0xae: {  	[dreg:$0x2] =	wrdreg s2  }
0xaf: {  	[dreg:$0x3] =	wrdreg s24  }
0xb0: {  	[dreg:$0x4] =	wrdreg $0x98000  }
0xb1: {  	[dreg:$0x5] =	wrdreg $0x9  }
0xb2: {  	_ =	task.clear_ibuf [dreg:s7], $0x6FFFF;
	_ =	strace $0x90000046  }
0xb3: {  	s29 =	simm.s32 $0x9;
	_ =	strace $0x80000048  }
0xb4: {  	_ =	swait.ge [sflag:s29], $0x1  }
0xb5: {  	[sflag:s29] =	ssyncadd.s32 $0xFFFFFFFF  }
0xb6: {  	_ =	strace $0x90000048  }
0xb7: {  	_ =	sfence  }
0xb8: {  	s30 =	sld [smem:$0x0];
	_ =	sdelay $0x2  }
0xb9: {  	s31 =	sshll.u32 s1, $0xD;
	s1 =	sshrl.u32 s1, $0x2  }
0xba: {  	s3 =	sand.u32 $0x4000, s31;
	s1 =	sadd.s32 s1, s30  }
0xbb: {  	s0 =	sor.u32 s3, s0;
	s1 =	sshll.u32 s1, $0x11  }
0xbc: {  	s0 =	sor.u32 s1, s0  }
0xbd: {  	s0 =	sadd.s32 $0x8F2B, s0  }
0xbe: {  	[sflag:s0] =	ssyncadd.remote.s32 $0x1  }
0xbf: {  	_ =	sfence.sel $0xFFFF  }
0xc0: {  	[dreg:$0x0] =	wrdreg $0xFFFFFFFF;
	(pc) =	sbr.abs _section_cstart, $3  }
0xc1: {  	[dreg:$0x1] =	wrdreg $0xFFFFFFFF  }
0xc2: {  	_ =	task.clear_ibuf [dreg:s7], $0x2FFFF;
	_ =	strace $0x9FFFFFFF  }
0xc3: {  	(tm) =	ssettm $0x7FFFFFFF  }
tec
execute0_lowered:
.L_overlay_start_1:
0x0: {  	(tag) =	ssettag $0x1  }
0x1: {  	s2 =	rddreg [dreg:$0x0]  }
0x2: {  	s6 =	rddreg [dreg:$0x1];
	s0 =	stileid.u32  }
0x3: {  	s3 =	rddreg [dreg:$0x2];
	s4 =	simm.s32 $0x0;
	s7 =	srdreg.scid  }
0x4: {  	s13 =	smul.u32 $0x2C00, s0;
	[smem:$0x7FF] =	sst s4;
	s11 =	sand.u32 $0x1, s7  }
0x5: {  	s14 =	sadd.s32 $0x5C00, s6;
	s15 =	sadd.s32 $0x32C00, s6;
	s19 =	sshll.u32 s0, $0xF  }
0x6: {  	s31 =	sshll.u32 s0, $0x6;
	_ =	strace $0x80000047;
	s7 =	ssub.s32 $0x2, s11  }
0x7: {  	s9 =	smul.u32 $0xB0000, s11;
	s10 =	sshll.u32 s11, $0x2;
	s24 =	sshllo.u32 s11, $0x2  }
0x8: {  	s5 =	sshrl.u32 s13, $0x3;
	s17 =	sshrl.u32 s7, $0x1;
	s12 =	sor.u32 $0x1, s10  }
0x9: {  	s28 =	smul.u32 $0x2C000, s24;
	s29 =	sshll.u32 s24, $0x7;
	s24 =	simm.s32 $0x10  }
0xa: {  	s8 =	sadd.s32 s5, s6;
	s5 =	sadd.s32 $0x31C00, s6;
	s16 =	ssub.s32 s7, s17  }
0xb: {  	s18 =	sadd.s32 s13, s9;
	s20 =	smul.u32 $0x2C000, s12;
	s17 =	sshll.u32 s0, $0x12  }
0xc: {  	s12 =	sshll.u32 s12, $0x7;
	s6 =	sadd.s32 $0x400, s8;
	s7 =	sshrl.u32 s18, $0x3  }
0xd: {  	s8 =	sadd.s32 s19, s3;
	s18 =	sshll.u32 s11, $0x9;
	s19 =	sor.u32 $0x2, s10  }
0xe: {  	s12 =	sor.u32 s17, s12;
	s16 =	smax.u32 s16, $0x1;
	s7 =	sadd.s32 s14, s7  }
0xf: {  	s18 =	sor.u32 s18, s17;
	s9 =	sadd.s32 s13, s20;
	s20 =	smul.u32 $0x2C000, s19  }
0x10: {  	s25 =	sshrl.u32 s12, $0x3;
	s19 =	sshll.u32 s19, $0x7;
	s21 =	sshrl.u32 s18, $0x3  }
0x11: {  	s22 =	sshrl.u32 s9, $0x3;
	s11 =	sadd.s32 s15, s25;
	s19 =	sor.u32 s17, s19  }
0x12: {  	s17 =	sor.u32 s17, s29;
	s18 =	simm.s32 $0x2C00;
	s25 =	simm.s32 $0x0  }
0x13: {  	s9 =	sadd.s32 s15, s21;
	s10 =	sadd.s32 s14, s22;
	s23 =	sadd.s32 s13, s20  }
0x14: {  	s13 =	sadd.s32 s13, s28;
	s19 =	sshrl.u32 s19, $0x3;
	s17 =	sshrl.u32 s17, $0x3  }
0x15: {  	s20 =	simm.s32 $0x80;
	s21 =	simm.s32 $0x5800;
	s22 =	simm.s32 $0x1  }
0x16: {  	s26 =	sshrl.u32 s23, $0x3;
	s30 =	sshrl.u32 s13, $0x3;
	s13 =	sadd.s32 s15, s19  }
0x17: {  	s15 =	sadd.s32 s15, s17;
	s17 =	simm.s32 $0x3;
	s19 =	sor.u32 $0x1C03, s31  }
0x18: {  	s23 =	simm.s32 $0x2;
	s12 =	sadd.s32 s14, s26;
	s14 =	sadd.s32 s14, s30  }
.LBB2_1:
0x19: {  	[tilespmem:s4], [sflag:$0x3] =	stream.linear.gather [hbm4b:s6+s4], $0x2900, $0x38;
	[tilespmem:$0x11840] =	vst v63  }
0x1a: {  	_ =	swait.ge [sflag:s17], $0x2900  }
0x1b: {  	[sflag:s17] =	ssyncset.done $0x0  }
0x1c: {  	[sflag:s17] =	ssyncadd.s32 $0xFFFFD700  }
0x1d: {  	[tilespmem:s18], [sflag:$0x3] =	stream.linear.gather [hbm4b:s7+s4], $0x2900, $0x38;
	[tilespmem:$0x11840] =	vst v63  }
0x1e: {  	_ =	swait.ge [sflag:s17], $0x2900  }
0x1f: {  	[sflag:s17] =	ssyncset.done $0x0  }
0x20: {  	s26 =	sshrl.u32 s8, $0x3;
	[sflag:s17] =	ssyncadd.s32 $0xFFFFD700  }
0x21: {  	[spmem:s26], [sflag:s19] =	dma.local [hbm:s5], $0x1000  }
0x22: {  	_ =	swait.ge [sflag:s17], $0x1000  }
0x23: {  	[sflag:s17] =	ssyncset.done $0x0  }
0x24: {  	[sflag:s17] =	ssyncadd.s32 $0xFFFFF000  }
0x25: {  	s28 =	simm.s32 $0x2C00;
	[bflag:$0x0] =	sbarrier.arrive $0xFFFF  }
0x26: {  	[tilespmem:s21], [sflag:$0x1] =	stream.indirect.gather [hbm4b:s2+s20], $0x80, s28, s20, $0xb8;
	[tilespmem:$0x11840] =	vst v63  }
0x27: {  	_ =	swait.ge [sflag:s22], $0x4000  }
0x28: {  	[sflag:s22] =	ssyncset.done $0x0  }
0x29: {  	s28 =	simm.s32 $0x0;
	[sflag:s22] =	ssyncadd.s32 $0xFFFFC000  }
0x2a: {  	[spmem:s3] =	stream.indirect.scatter.add.f32 [tilespmem:s21], [sflag:$0x2], $0x80, s28, s20, $0xb8;
	[tilespmem:$0x11840] =	vst v63  }
0x2b: {  	_ =	swait.ge [sflag:s23], $0x4000  }
0x2c: {  	s29 =	simm.s32 $0x400;
	s28 =	simm.s32 $0x80;
	[sflag:s23] =	ssyncset.done $0x0  }
.LBB2_2:
0x2d: {  	s30 =	sadd.s32 $0x2C00, s28  }
0x2e: {  	[sflag:s23] =	ssyncadd.s32 $0xFFFFC000;
	s31 =	smov.u32 s29;
	s1 =	sadd.s32 $0x200, s29  }
0x2f: {  	[tilespmem:s21], [sflag:$0x1] =	stream.indirect.gather [hbm4b:s2+s20], $0x80, s30, s20, $0xb8;
	[tilespmem:$0x11840] =	vst v63  }
0x30: {  	p0 =	sne.s32 s29, $0xA200;
	_ =	swait.ge [sflag:s22], $0x4000  }
.Ltmp0:
0x31: {  	[sflag:s22] =	ssyncset.done $0x0;
	(pc) =	sbr.rel @p0 .LBB2_2-.Ltmp0, $4  }
0x32: {  	[sflag:s22] =	ssyncadd.s32 $0xFFFFC000  }
0x33: {  	[spmem:s3] =	stream.indirect.scatter.add.f32 [tilespmem:s21], [sflag:$0x2], $0x80, s28, s20, $0xb8;
	[tilespmem:$0x11840] =	vst v63  }
0x34: {  	_ =	swait.ge [sflag:s23], $0x4000  }
0x35: {  	s29 =	smov.u32 s1;
	s28 =	sshra.s32 s31, $0x2;
	[sflag:s23] =	ssyncset.done $0x0  }
0x36: {  	s1 =	sadd.s32 $0x2C00, s28;
	[sflag:s23] =	ssyncadd.s32 $0xFFFFC000  }
0x37: {  	[tilespmem:s21], [sflag:$0x1] =	stream.indirect.gather [hbm4b:s2+s20], $0x80, s1, s20, $0xb8;
	[tilespmem:$0x11840] =	vst v63  }
0x38: {  	_ =	swait.ge [sflag:s22], $0x4000  }
0x39: {  	[sflag:s22] =	ssyncset.done $0x0  }
0x3a: {  	[sflag:s22] =	ssyncadd.s32 $0xFFFFC000  }
0x3b: {  	[spmem:s3] =	stream.indirect.scatter.add.f32 [tilespmem:s21], [sflag:$0x2], $0x80, s28, s20, $0xb8;
	[tilespmem:$0x11840] =	vst v63  }
0x3c: {  	_ =	swait.ge [sflag:s23], $0x4000  }
0x3d: {  	[sflag:s23] =	ssyncset.done $0x0  }
0x3e: {  	[sflag:s23] =	ssyncadd.s32 $0xFFFFC000  }
0x3f: {  	[bflag:$0x0] =	sbarrier.arrive $0xFFFF  }
0x40: {  	[hbm:s9@s20], [sflag:s19] =	dma.strided [spmem:s26@s24], $0x1000, s22, $0x10   }
0x41: {  	_ =	swait.ge [sflag:s17], $0x1000  }
0x42: {  	[sflag:s17] =	ssyncset.done $0x0  }
0x43: {  	s31 =	simm.s32 $0x0;
	[sflag:s17] =	ssyncadd.s32 $0xFFFFF000  }
0x44: {  	[tilespmem:s18], [sflag:$0x3] =	stream.linear.gather [hbm4b:s10+s31], $0x2900, $0x38;
	[tilespmem:$0x11840] =	vst v63  }
0x45: {  	_ =	swait.ge [sflag:s17], $0x2900  }
0x46: {  	[sflag:s17] =	ssyncset.done $0x0  }
0x47: {  	[sflag:s17] =	ssyncadd.s32 $0xFFFFD700  }
0x48: {  	[spmem:s26], [sflag:s19] =	dma.local [hbm:s5], $0x1000  }
0x49: {  	_ =	swait.ge [sflag:s17], $0x1000  }
0x4a: {  	[sflag:s17] =	ssyncset.done $0x0  }
0x4b: {  	[sflag:s17] =	ssyncadd.s32 $0xFFFFF000  }
0x4c: {  	s30 =	simm.s32 $0x2C00;
	[bflag:$0x0] =	sbarrier.arrive $0xFFFF  }
0x4d: {  	[tilespmem:s21], [sflag:$0x1] =	stream.indirect.gather [hbm4b:s2+s20], $0x80, s30, s20, $0xb8;
	[tilespmem:$0x11840] =	vst v63  }
0x4e: {  	_ =	swait.ge [sflag:s22], $0x4000  }
0x4f: {  	[sflag:s22] =	ssyncset.done $0x0  }
0x50: {  	s31 =	simm.s32 $0x0;
	[sflag:s22] =	ssyncadd.s32 $0xFFFFC000  }
0x51: {  	[spmem:s3] =	stream.indirect.scatter.add.f32 [tilespmem:s21], [sflag:$0x2], $0x80, s31, s20, $0xb8;
	[tilespmem:$0x11840] =	vst v63  }
0x52: {  	_ =	swait.ge [sflag:s23], $0x4000  }
0x53: {  	s29 =	simm.s32 $0x400;
	s28 =	simm.s32 $0x80;
	[sflag:s23] =	ssyncset.done $0x0  }
.LBB2_4:
0x54: {  	s1 =	sadd.s32 $0x2C00, s28  }
0x55: {  	[sflag:s23] =	ssyncadd.s32 $0xFFFFC000;
	s30 =	smov.u32 s29;
	s31 =	sadd.s32 $0x200, s29  }
0x56: {  	[tilespmem:s21], [sflag:$0x1] =	stream.indirect.gather [hbm4b:s2+s20], $0x80, s1, s20, $0xb8;
	[tilespmem:$0x11840] =	vst v63  }
0x57: {  	p0 =	sne.s32 s29, $0xA200;
	_ =	swait.ge [sflag:s22], $0x4000  }
.Ltmp1:
0x58: {  	[sflag:s22] =	ssyncset.done $0x0;
	(pc) =	sbr.rel @p0 .LBB2_4-.Ltmp1, $4  }
0x59: {  	[sflag:s22] =	ssyncadd.s32 $0xFFFFC000  }
0x5a: {  	[spmem:s3] =	stream.indirect.scatter.add.f32 [tilespmem:s21], [sflag:$0x2], $0x80, s28, s20, $0xb8;
	[tilespmem:$0x11840] =	vst v63  }
0x5b: {  	_ =	swait.ge [sflag:s23], $0x4000  }
0x5c: {  	s29 =	smov.u32 s31;
	s28 =	sshra.s32 s30, $0x2;
	[sflag:s23] =	ssyncset.done $0x0  }
0x5d: {  	s1 =	sadd.s32 $0x2C00, s28;
	[sflag:s23] =	ssyncadd.s32 $0xFFFFC000  }
0x5e: {  	[tilespmem:s21], [sflag:$0x1] =	stream.indirect.gather [hbm4b:s2+s20], $0x80, s1, s20, $0xb8;
	[tilespmem:$0x11840] =	vst v63  }
0x5f: {  	_ =	swait.ge [sflag:s22], $0x4000  }
0x60: {  	[sflag:s22] =	ssyncset.done $0x0  }
0x61: {  	[sflag:s22] =	ssyncadd.s32 $0xFFFFC000  }
0x62: {  	[spmem:s3] =	stream.indirect.scatter.add.f32 [tilespmem:s21], [sflag:$0x2], $0x80, s28, s20, $0xb8;
	[tilespmem:$0x11840] =	vst v63  }
0x63: {  	_ =	swait.ge [sflag:s23], $0x4000  }
0x64: {  	[sflag:s23] =	ssyncset.done $0x0  }
0x65: {  	[sflag:s23] =	ssyncadd.s32 $0xFFFFC000  }
0x66: {  	[bflag:$0x0] =	sbarrier.arrive $0xFFFF  }
0x67: {  	[hbm:s11@s20], [sflag:s19] =	dma.strided [spmem:s26@s24], $0x1000, s22, $0x10   }
0x68: {  	_ =	swait.ge [sflag:s17], $0x1000  }
0x69: {  	[sflag:s17] =	ssyncset.done $0x0  }
0x6a: {  	s31 =	simm.s32 $0x0;
	[sflag:s17] =	ssyncadd.s32 $0xFFFFF000  }
0x6b: {  	[tilespmem:s18], [sflag:$0x3] =	stream.linear.gather [hbm4b:s12+s31], $0x2900, $0x38;
	[tilespmem:$0x11840] =	vst v63  }
0x6c: {  	_ =	swait.ge [sflag:s17], $0x2900  }
0x6d: {  	[sflag:s17] =	ssyncset.done $0x0  }
0x6e: {  	[sflag:s17] =	ssyncadd.s32 $0xFFFFD700  }
0x6f: {  	[spmem:s26], [sflag:s19] =	dma.local [hbm:s5], $0x1000  }
0x70: {  	_ =	swait.ge [sflag:s17], $0x1000  }
0x71: {  	[sflag:s17] =	ssyncset.done $0x0  }
0x72: {  	[sflag:s17] =	ssyncadd.s32 $0xFFFFF000  }
0x73: {  	s30 =	simm.s32 $0x2C00;
	[bflag:$0x0] =	sbarrier.arrive $0xFFFF  }
0x74: {  	[tilespmem:s21], [sflag:$0x1] =	stream.indirect.gather [hbm4b:s2+s20], $0x80, s30, s20, $0xb8;
	[tilespmem:$0x11840] =	vst v63  }
0x75: {  	_ =	swait.ge [sflag:s22], $0x4000  }
0x76: {  	[sflag:s22] =	ssyncset.done $0x0  }
0x77: {  	s31 =	simm.s32 $0x0;
	[sflag:s22] =	ssyncadd.s32 $0xFFFFC000  }
0x78: {  	[spmem:s3] =	stream.indirect.scatter.add.f32 [tilespmem:s21], [sflag:$0x2], $0x80, s31, s20, $0xb8;
	[tilespmem:$0x11840] =	vst v63  }
0x79: {  	_ =	swait.ge [sflag:s23], $0x4000  }
0x7a: {  	s29 =	simm.s32 $0x400;
	s28 =	simm.s32 $0x80;
	[sflag:s23] =	ssyncset.done $0x0  }
.LBB2_6:
0x7b: {  	s1 =	sadd.s32 $0x2C00, s28  }
0x7c: {  	[sflag:s23] =	ssyncadd.s32 $0xFFFFC000;
	s30 =	smov.u32 s29;
	s31 =	sadd.s32 $0x200, s29  }
0x7d: {  	[tilespmem:s21], [sflag:$0x1] =	stream.indirect.gather [hbm4b:s2+s20], $0x80, s1, s20, $0xb8;
	[tilespmem:$0x11840] =	vst v63  }
0x7e: {  	p0 =	sne.s32 s29, $0xA200;
	_ =	swait.ge [sflag:s22], $0x4000  }
.Ltmp2:
0x7f: {  	[sflag:s22] =	ssyncset.done $0x0;
	(pc) =	sbr.rel @p0 .LBB2_6-.Ltmp2, $4  }
0x80: {  	[sflag:s22] =	ssyncadd.s32 $0xFFFFC000  }
0x81: {  	[spmem:s3] =	stream.indirect.scatter.add.f32 [tilespmem:s21], [sflag:$0x2], $0x80, s28, s20, $0xb8;
	[tilespmem:$0x11840] =	vst v63  }
0x82: {  	_ =	swait.ge [sflag:s23], $0x4000  }
0x83: {  	s29 =	smov.u32 s31;
	s28 =	sshra.s32 s30, $0x2;
	[sflag:s23] =	ssyncset.done $0x0  }
0x84: {  	s1 =	sadd.s32 $0x2C00, s28;
	[sflag:s23] =	ssyncadd.s32 $0xFFFFC000  }
0x85: {  	[tilespmem:s21], [sflag:$0x1] =	stream.indirect.gather [hbm4b:s2+s20], $0x80, s1, s20, $0xb8;
	[tilespmem:$0x11840] =	vst v63  }
0x86: {  	_ =	swait.ge [sflag:s22], $0x4000  }
0x87: {  	[sflag:s22] =	ssyncset.done $0x0  }
0x88: {  	[sflag:s22] =	ssyncadd.s32 $0xFFFFC000  }
0x89: {  	[spmem:s3] =	stream.indirect.scatter.add.f32 [tilespmem:s21], [sflag:$0x2], $0x80, s28, s20, $0xb8;
	[tilespmem:$0x11840] =	vst v63  }
0x8a: {  	_ =	swait.ge [sflag:s23], $0x4000  }
0x8b: {  	[sflag:s23] =	ssyncset.done $0x0  }
0x8c: {  	[sflag:s23] =	ssyncadd.s32 $0xFFFFC000  }
0x8d: {  	[bflag:$0x0] =	sbarrier.arrive $0xFFFF  }
0x8e: {  	[hbm:s13@s20], [sflag:s19] =	dma.strided [spmem:s26@s24], $0x1000, s22, $0x10   }
0x8f: {  	_ =	swait.ge [sflag:s17], $0x1000  }
0x90: {  	[sflag:s17] =	ssyncset.done $0x0  }
0x91: {  	s31 =	simm.s32 $0x0;
	[sflag:s17] =	ssyncadd.s32 $0xFFFFF000  }
0x92: {  	[tilespmem:s18], [sflag:$0x3] =	stream.linear.gather [hbm4b:s14+s31], $0x2900, $0x38;
	[tilespmem:$0x11840] =	vst v63  }
0x93: {  	_ =	swait.ge [sflag:s17], $0x2900  }
0x94: {  	[sflag:s17] =	ssyncset.done $0x0  }
0x95: {  	[sflag:s17] =	ssyncadd.s32 $0xFFFFD700  }
0x96: {  	[spmem:s26], [sflag:s19] =	dma.local [hbm:s5], $0x1000  }
0x97: {  	_ =	swait.ge [sflag:s17], $0x1000  }
0x98: {  	[sflag:s17] =	ssyncset.done $0x0  }
0x99: {  	[sflag:s17] =	ssyncadd.s32 $0xFFFFF000  }
0x9a: {  	s30 =	simm.s32 $0x2C00;
	[bflag:$0x0] =	sbarrier.arrive $0xFFFF  }
0x9b: {  	[tilespmem:s21], [sflag:$0x1] =	stream.indirect.gather [hbm4b:s2+s20], $0x80, s30, s20, $0xb8;
	[tilespmem:$0x11840] =	vst v63  }
0x9c: {  	_ =	swait.ge [sflag:s22], $0x4000  }
0x9d: {  	[sflag:s22] =	ssyncset.done $0x0  }
0x9e: {  	s31 =	simm.s32 $0x0;
	[sflag:s22] =	ssyncadd.s32 $0xFFFFC000  }
0x9f: {  	[spmem:s3] =	stream.indirect.scatter.add.f32 [tilespmem:s21], [sflag:$0x2], $0x80, s31, s20, $0xb8;
	[tilespmem:$0x11840] =	vst v63  }
0xa0: {  	_ =	swait.ge [sflag:s23], $0x4000  }
0xa1: {  	s29 =	simm.s32 $0x400;
	s28 =	simm.s32 $0x80;
	[sflag:s23] =	ssyncset.done $0x0  }
.LBB2_8:
0xa2: {  	s1 =	sadd.s32 $0x2C00, s28  }
0xa3: {  	[sflag:s23] =	ssyncadd.s32 $0xFFFFC000;
	s30 =	smov.u32 s29;
	s31 =	sadd.s32 $0x200, s29  }
0xa4: {  	[tilespmem:s21], [sflag:$0x1] =	stream.indirect.gather [hbm4b:s2+s20], $0x80, s1, s20, $0xb8;
	[tilespmem:$0x11840] =	vst v63  }
0xa5: {  	p0 =	sne.s32 s29, $0xA200;
	_ =	swait.ge [sflag:s22], $0x4000  }
.Ltmp3:
0xa6: {  	[sflag:s22] =	ssyncset.done $0x0;
	(pc) =	sbr.rel @p0 .LBB2_8-.Ltmp3, $4  }
0xa7: {  	[sflag:s22] =	ssyncadd.s32 $0xFFFFC000  }
0xa8: {  	[spmem:s3] =	stream.indirect.scatter.add.f32 [tilespmem:s21], [sflag:$0x2], $0x80, s28, s20, $0xb8;
	[tilespmem:$0x11840] =	vst v63  }
0xa9: {  	_ =	swait.ge [sflag:s23], $0x4000  }
0xaa: {  	s29 =	smov.u32 s31;
	s28 =	sshra.s32 s30, $0x2;
	[sflag:s23] =	ssyncset.done $0x0  }
0xab: {  	s1 =	sadd.s32 $0x2C00, s28;
	[sflag:s23] =	ssyncadd.s32 $0xFFFFC000  }
0xac: {  	[tilespmem:s21], [sflag:$0x1] =	stream.indirect.gather [hbm4b:s2+s20], $0x80, s1, s20, $0xb8;
	[tilespmem:$0x11840] =	vst v63  }
0xad: {  	_ =	swait.ge [sflag:s22], $0x4000  }
0xae: {  	[sflag:s22] =	ssyncset.done $0x0  }
0xaf: {  	[sflag:s22] =	ssyncadd.s32 $0xFFFFC000  }
0xb0: {  	[spmem:s3] =	stream.indirect.scatter.add.f32 [tilespmem:s21], [sflag:$0x2], $0x80, s28, s20, $0xb8;
	[tilespmem:$0x11840] =	vst v63  }
0xb1: {  	_ =	swait.ge [sflag:s23], $0x4000  }
0xb2: {  	s25 =	sadd.s32 $0x1, s25;
	[sflag:s23] =	ssyncset.done $0x0  }
0xb3: {  	p0 =	sne.s32 s25, s16;
	[sflag:s23] =	ssyncadd.s32 $0xFFFFC000  }
.Ltmp4:
0xb4: {  	[bflag:$0x0] =	sbarrier.arrive $0xFFFF;
	(pc) =	sbr.rel @p0 .LBB2_1-.Ltmp4, $4  }
0xb5: {  	[hbm:s15@s20], [sflag:s19] =	dma.strided [spmem:s26@s24], $0x1000, s22, $0x10   }
0xb6: {  	_ =	swait.ge [sflag:s17], $0x1000  }
0xb7: {  	[sflag:s17] =	ssyncset.done $0x0  }
0xb8: {  	[sflag:s17] =	ssyncadd.s32 $0xFFFFF000  }
0xb9: {  	_ =	sfence.sel $0x180000  }
0xba: {  	[bflag:$0x0] =	sbarrier.arrive $0xFFFF  }
0xbb: {  	_ =	strace $0x90000047  }
0xbc: {  	[bflag:$0x2] =	sbarrier.arrive $0xFFFF  }
0xbd: {  	p0 =	sne.s32 s0, $0x0;
	s0 =	rddreg [dreg:$0x3]  }
0xbe: {  	s0 =	sadd.s32 @!p0 $0x100000, s0  }
0xbf: {  	[sflag:s0] =	ssyncadd.tile.s32 @!p0 $0x1;
	_ =	shalt  }
.Lfunc_end2:
_tile_overlayer_lowered:
.L_overlay_start_2:
0xc0: {  	(tag) =	ssettag $0x2  }
0xc1: {  	s0 =	rddreg [dreg:$0x0];
	s2 =	stileid.u32  }
0xc2: {  	s1 =	rddreg [dreg:$0x1];
	p0 =	sne.s32 s2, $0x0  }
0xc3: {  	s3 =	rddreg [dreg:$0x2];
	[bflag:$0x3] =	sbarrier.arrive $0xFFFF;
	s2 =	simm.s32 @!p0 $0x1C03  }
0xc4: {  	[timem:s3], [sflag:s2] =	dma.local @!p0 [hbm:s0], s1  }
0xc5: {  	s0 =	simm.s32 @!p0 $0x3  }
0xc6: {  	_ =	swait.ge @!p0 [sflag:s0], s1  }
0xc7: {  	s1 =	ssub.s32 @!p0 $0x0, s1;
	[sflag:s0] =	ssyncset.done @!p0 $0x0  }
0xc8: {  	[sflag:s0] =	ssyncadd.s32 @!p0 s1  }
0xc9: {  	[bflag:$0x3] =	sbarrier.arrive $0xFFFF  }
0xca: {  	_ =	shalt  }

</sc_bundles>
